<compile_context>
chip_gen: v7x
topology: tpu7x:2x2x1
jax: 0.10.2.dev20260603
libtpu: 0.0.44.dev20260713+nightly
codegen_flags: <defaults>
</compile_context>

<pallas_src>
import functools

import jax
import jax.numpy as jnp
from jax import lax
from jax.experimental import pallas as pl
from jax.experimental.pallas import tpu as pltpu
from jax.experimental.pallas import tpu_sc as plsc

NI = 4096
NJ = 50
D = 128
NC = 2
NS = 16
NW = NC * NS
CHUNK = NI // NW
NBUF = 5
STEADY = (NJ - NBUF) // NBUF * NBUF
REM = NJ - NBUF - STEADY


def _gather_body(xt_hbm, table_hbm, out_hbm, idx_v, rows, gsem, wsem):
    wid = lax.axis_index("s") * NC + lax.axis_index("c")
    i0 = wid * CHUNK

    pltpu.sync_copy(xt_hbm.at[:, pl.ds(i0, CHUNK)], idx_v)

    def start_gather(c, b):
        pltpu.async_copy(table_hbm.at[idx_v.at[c]], rows[b], gsem[b])

    def wait_gather(b):
        pltpu.make_async_copy(table_hbm.at[idx_v.at[0]], rows[b],
                              gsem[b]).wait()

    def start_wb(c, b):
        pltpu.async_copy(rows[b], out_hbm.at[c, pl.ds(i0, CHUNK)], wsem[b])

    def wait_wb(b):
        pltpu.make_async_copy(rows[b], out_hbm.at[0, pl.ds(0, CHUNK)],
                              wsem[b]).wait()

    for b in range(NBUF - 1):
        start_gather(b, b)

    wait_gather(0)
    start_wb(0, 0)
    start_gather(NBUF - 1, NBUF - 1)

    def steady_step(c, b, bprev):
        wait_gather(b)
        start_wb(c, b)
        wait_wb(bprev)
        start_gather(c + NBUF - 1, bprev)

    def outer(t, carry):
        c0 = 1 + NBUF * t
        for k in range(NBUF):
            steady_step(c0 + k, (1 + k) % NBUF, k)
        return carry

    lax.fori_loop(0, STEADY // NBUF, outer, 0)
    for k in range(REM):
        c = 1 + STEADY + k
        steady_step(c, c % NBUF, (c - 1) % NBUF)

    for k in range(NBUF - 1):
        c = NJ - (NBUF - 1) + k
        b = c % NBUF
        wait_gather(b)
        start_wb(c, b)
        wait_wb((c - 1) % NBUF)
    wait_wb((NJ - 1) % NBUF)


@jax.jit
def _gather(xt, table):
    mesh = plsc.VectorSubcoreMesh(core_axis_name="c", subcore_axis_name="s")
    f = functools.partial(
        pl.kernel,
        mesh=mesh,
        out_type=jax.ShapeDtypeStruct((NJ, NI, D), jnp.float32),
        scratch_types=[
            pltpu.VMEM((NJ, CHUNK), jnp.int32),
            [pltpu.VMEM((CHUNK, D), jnp.float32)] * NBUF,
            [pltpu.SemaphoreType.DMA] * NBUF,
            [pltpu.SemaphoreType.DMA] * NBUF,
        ],
    )(_gather_body)
    return f(xt, table)


def kernel(x, table):
    out_t = _gather(x.T.astype(jnp.int32), table)
    return out_t.transpose(1, 0, 2)

# --- scband reference (transcript-rebuilt; emitter-appended) ---
"""Pipeline reference for scband-box-registry-50955492000257 (READ-ONLY COPY).

The authoritative reference and input builder live on the scoring server;
editing this copy changes nothing except your own understanding.
"""

import jax, jax.numpy as jnp
import numpy as np

ENTRIES = 1000000
DIM = 64


def setup_inputs(seed: int = 0) -> dict:
    key = jax.random.key(seed)
    k_idx, k_center, k_offset = jax.random.split(key, 3)
    x = jax.random.randint(k_idx, (4096, 50), 0, ENTRIES, dtype=jnp.int64 if jax.config.jax_enable_x64 else jnp.int32)
    # Embedding table built exactly like BoxRegistry._init_embedding_:
    # center ~ U(-0.1, 0.1), offset ~ U(0.0, 0.2), concatenated along dim 1.
    center = jax.random.uniform(k_center, (ENTRIES, DIM), minval=-0.1, maxval=0.1, dtype=jnp.float32)
    offset = jax.random.uniform(k_offset, (ENTRIES, DIM), minval=0.0, maxval=0.2, dtype=jnp.float32)
    table = jnp.concatenate([center, offset], axis=1)  # [ENTRIES, 2*DIM]
    return {"x": x, "table": table}


def reference(x, table):
    # forward: self.boxes(x) -> embedding lookup
    return jnp.take(table, x, axis=0)  # [4096, 50, 128]

if __name__ == "__main__":
    import jax
    _d = setup_inputs()
    print(jax.jit(kernel)(*tuple(_d.values())))

</pallas_src>

<mosaic_0001>
#map = affine_map<(d0, d1) -> (0, 0)>
#map1 = affine_map<(d0, d1) -> (0, 0, 0)>
module attributes {stable_mosaic.version = 14 : i64} {
  func.func @_gather_body(%arg0: i32, %arg1: i32, %arg2: memref<50x4096xi32, #tpu.memory_space<hbm>>, %arg3: memref<1000000x128xf32, #tpu.memory_space<hbm>>, %arg4: memref<50x4096x128xf32, #tpu.memory_space<hbm>>, %arg5: memref<50x128xi32, #tpu.memory_space<vmem>>, %arg6: memref<128x128xf32, #tpu.memory_space<vmem>>, %arg7: memref<128x128xf32, #tpu.memory_space<vmem>>, %arg8: memref<128x128xf32, #tpu.memory_space<vmem>>, %arg9: memref<128x128xf32, #tpu.memory_space<vmem>>, %arg10: memref<128x128xf32, #tpu.memory_space<vmem>>, %arg11: memref<!tpu.dma_semaphore, #tpu.memory_space<semaphore_mem>>, %arg12: memref<!tpu.dma_semaphore, #tpu.memory_space<semaphore_mem>>, %arg13: memref<!tpu.dma_semaphore, #tpu.memory_space<semaphore_mem>>, %arg14: memref<!tpu.dma_semaphore, #tpu.memory_space<semaphore_mem>>, %arg15: memref<!tpu.dma_semaphore, #tpu.memory_space<semaphore_mem>>, %arg16: memref<!tpu.dma_semaphore, #tpu.memory_space<semaphore_mem>>, %arg17: memref<!tpu.dma_semaphore, #tpu.memory_space<semaphore_mem>>, %arg18: memref<!tpu.dma_semaphore, #tpu.memory_space<semaphore_mem>>, %arg19: memref<!tpu.dma_semaphore, #tpu.memory_space<semaphore_mem>>, %arg20: memref<!tpu.dma_semaphore, #tpu.memory_space<semaphore_mem>>) attributes {dimension_semantics = [#tpu.dimension_semantics<core_parallel>, #tpu.dimension_semantics<subcore_parallel>], iteration_bounds = array<i64: 2, 16>, scalar_prefetch = 0 : i64, scratch_operands = 16 : i64, tpu.core_type = #tpu.core_type<sc_vector_subcore>, window_params = [{transform_indices = #map}, {transform_indices = #map}, {transform_indices = #map1}]} {
    %mul3A = arith.constant 2 : i32
    %mul3A_0 = arith.muli %arg1, %mul3A : i32
    %add3A = arith.addi %mul3A_0, %arg0 : i32
    %mul3A_1 = arith.constant 128 : i32
    %mul3A_2 = arith.muli %add3A, %mul3A_1 : i32
    "tpu.region"() ({
      %run_scoped3A = tpu.sem_alloc : memref<!tpu.dma_semaphore, #tpu.memory_space<semaphore_mem>>
      %dma_start3A_156 = arith.constant 0 : i32
      %dma_start3A_157 = tpu.memref_slice %arg2[%dma_start3A_156, %mul3A_2] : memref<50x4096xi32, #tpu.memory_space<hbm>> -> memref<50x128xi32, #tpu.memory_space<hbm>>
      %dma_start3A_158 = arith.constant 0 : i32
      %dma_start3A_159 = tpu.memref_slice %arg2[%dma_start3A_158, %mul3A_2] : memref<50x4096xi32, #tpu.memory_space<hbm>> -> memref<50x128xi32, #tpu.memory_space<hbm>>
      tpu.enqueue_dma source(%dma_start3A_159 : memref<50x128xi32, #tpu.memory_space<hbm>>) target(%arg5 : memref<50x128xi32, #tpu.memory_space<vmem>>) target_semaphore(%run_scoped3A : memref<!tpu.dma_semaphore, #tpu.memory_space<semaphore_mem>>)
      %dma_wait3A_160 = arith.constant 0 : i32
      %dma_wait3A_161 = tpu.memref_slice %arg2[%dma_wait3A_160, %mul3A_2] : memref<50x4096xi32, #tpu.memory_space<hbm>> -> memref<50x128xi32, #tpu.memory_space<hbm>>
      %dma_wait3A_162 = arith.constant 0 : i32
      %dma_wait3A_163 = tpu.memref_slice %arg2[%dma_wait3A_162, %mul3A_2] : memref<50x4096xi32, #tpu.memory_space<hbm>> -> memref<50x128xi32, #tpu.memory_space<hbm>>
      tpu.wait_dma2 semaphore(%run_scoped3A : memref<!tpu.dma_semaphore, #tpu.memory_space<semaphore_mem>>) src(%dma_wait3A_163 : memref<50x128xi32, #tpu.memory_space<hbm>>) dst(%arg5 : memref<50x128xi32, #tpu.memory_space<vmem>>)
      tpu.yield
    }) : () -> ()
    %dma_start3A = arith.constant 0 : i32
    %dma_start3A_3 = arith.constant 0 : i32
    %dma_start3A_4 = tpu.memref_slice %arg5[%dma_start3A, %dma_start3A_3] : memref<50x128xi32, #tpu.memory_space<vmem>> -> memref<1x128xi32, #tpu.memory_space<vmem>>
    %dma_start3A_5 = tpu.memref_squeeze %dma_start3A_4 : memref<1x128xi32, #tpu.memory_space<vmem>> -> memref<128xi32, #tpu.memory_space<vmem>>
    %dma_start3A_6 = arith.constant 0 : i32
    %dma_start3A_7 = arith.constant 0 : i32
    %dma_start3A_8 = tpu.memref_slice %arg3[%dma_start3A_6, %dma_start3A_7] : memref<1000000x128xf32, #tpu.memory_space<hbm>> -> memref<1000000x128xf32, #tpu.memory_space<hbm>>
    tpu.enqueue_indirect_dma source(%dma_start3A_8 : memref<1000000x128xf32, #tpu.memory_space<hbm>>) target(%arg6 : memref<128x128xf32, #tpu.memory_space<vmem>>) offsets(%dma_start3A_5 : memref<128xi32, #tpu.memory_space<vmem>>) semaphore(%arg11 : memref<!tpu.dma_semaphore, #tpu.memory_space<semaphore_mem>>)
    %dma_start3A_9 = arith.constant 1 : i32
    %dma_start3A_10 = arith.constant 0 : i32
    %dma_start3A_11 = tpu.memref_slice %arg5[%dma_start3A_9, %dma_start3A_10] : memref<50x128xi32, #tpu.memory_space<vmem>> -> memref<1x128xi32, #tpu.memory_space<vmem>>
    %dma_start3A_12 = tpu.memref_squeeze %dma_start3A_11 : memref<1x128xi32, #tpu.memory_space<vmem>> -> memref<128xi32, #tpu.memory_space<vmem>>
    %dma_start3A_13 = arith.constant 0 : i32
    %dma_start3A_14 = arith.constant 0 : i32
    %dma_start3A_15 = tpu.memref_slice %arg3[%dma_start3A_13, %dma_start3A_14] : memref<1000000x128xf32, #tpu.memory_space<hbm>> -> memref<1000000x128xf32, #tpu.memory_space<hbm>>
    tpu.enqueue_indirect_dma source(%dma_start3A_15 : memref<1000000x128xf32, #tpu.memory_space<hbm>>) target(%arg7 : memref<128x128xf32, #tpu.memory_space<vmem>>) offsets(%dma_start3A_12 : memref<128xi32, #tpu.memory_space<vmem>>) semaphore(%arg12 : memref<!tpu.dma_semaphore, #tpu.memory_space<semaphore_mem>>)
    %dma_start3A_16 = arith.constant 2 : i32
    %dma_start3A_17 = arith.constant 0 : i32
    %dma_start3A_18 = tpu.memref_slice %arg5[%dma_start3A_16, %dma_start3A_17] : memref<50x128xi32, #tpu.memory_space<vmem>> -> memref<1x128xi32, #tpu.memory_space<vmem>>
    %dma_start3A_19 = tpu.memref_squeeze %dma_start3A_18 : memref<1x128xi32, #tpu.memory_space<vmem>> -> memref<128xi32, #tpu.memory_space<vmem>>
    %dma_start3A_20 = arith.constant 0 : i32
    %dma_start3A_21 = arith.constant 0 : i32
    %dma_start3A_22 = tpu.memref_slice %arg3[%dma_start3A_20, %dma_start3A_21] : memref<1000000x128xf32, #tpu.memory_space<hbm>> -> memref<1000000x128xf32, #tpu.memory_space<hbm>>
    tpu.enqueue_indirect_dma source(%dma_start3A_22 : memref<1000000x128xf32, #tpu.memory_space<hbm>>) target(%arg8 : memref<128x128xf32, #tpu.memory_space<vmem>>) offsets(%dma_start3A_19 : memref<128xi32, #tpu.memory_space<vmem>>) semaphore(%arg13 : memref<!tpu.dma_semaphore, #tpu.memory_space<semaphore_mem>>)
    %dma_start3A_23 = arith.constant 3 : i32
    %dma_start3A_24 = arith.constant 0 : i32
    %dma_start3A_25 = tpu.memref_slice %arg5[%dma_start3A_23, %dma_start3A_24] : memref<50x128xi32, #tpu.memory_space<vmem>> -> memref<1x128xi32, #tpu.memory_space<vmem>>
    %dma_start3A_26 = tpu.memref_squeeze %dma_start3A_25 : memref<1x128xi32, #tpu.memory_space<vmem>> -> memref<128xi32, #tpu.memory_space<vmem>>
    %dma_start3A_27 = arith.constant 0 : i32
    %dma_start3A_28 = arith.constant 0 : i32
    %dma_start3A_29 = tpu.memref_slice %arg3[%dma_start3A_27, %dma_start3A_28] : memref<1000000x128xf32, #tpu.memory_space<hbm>> -> memref<1000000x128xf32, #tpu.memory_space<hbm>>
    tpu.enqueue_indirect_dma source(%dma_start3A_29 : memref<1000000x128xf32, #tpu.memory_space<hbm>>) target(%arg9 : memref<128x128xf32, #tpu.memory_space<vmem>>) offsets(%dma_start3A_26 : memref<128xi32, #tpu.memory_space<vmem>>) semaphore(%arg14 : memref<!tpu.dma_semaphore, #tpu.memory_space<semaphore_mem>>)
    %dma_wait3A = arith.constant 0 : i32
    %dma_wait3A_30 = arith.constant 0 : i32
    %dma_wait3A_31 = tpu.memref_slice %arg5[%dma_wait3A, %dma_wait3A_30] : memref<50x128xi32, #tpu.memory_space<vmem>> -> memref<1x128xi32, #tpu.memory_space<vmem>>
    %dma_wait3A_32 = tpu.memref_squeeze %dma_wait3A_31 : memref<1x128xi32, #tpu.memory_space<vmem>> -> memref<128xi32, #tpu.memory_space<vmem>>
    %dma_wait3A_33 = arith.constant 0 : i32
    %dma_wait3A_34 = arith.constant 0 : i32
    %dma_wait3A_35 = tpu.memref_slice %arg3[%dma_wait3A_33, %dma_wait3A_34] : memref<1000000x128xf32, #tpu.memory_space<hbm>> -> memref<1000000x128xf32, #tpu.memory_space<hbm>>
    tpu.wait_indirect_dma semaphore(%arg11 : memref<!tpu.dma_semaphore, #tpu.memory_space<semaphore_mem>>) src(%dma_wait3A_35 : memref<1000000x128xf32, #tpu.memory_space<hbm>>) dst(%arg6 : memref<128x128xf32, #tpu.memory_space<vmem>>)
    %dma_start3A_36 = arith.constant 0 : i32
    %dma_start3A_37 = arith.constant 0 : i32
    %dma_start3A_38 = tpu.memref_slice %arg4[%dma_start3A_36, %mul3A_2, %dma_start3A_37] : memref<50x4096x128xf32, #tpu.memory_space<hbm>> -> memref<1x128x128xf32, #tpu.memory_space<hbm>>
    %dma_start3A_39 = tpu.memref_squeeze %dma_start3A_38 : memref<1x128x128xf32, #tpu.memory_space<hbm>> -> memref<128x128xf32, #tpu.memory_space<hbm>>
    %dma_start3A_40 = arith.constant 0 : i32
    %dma_start3A_41 = tpu.memref_slice %arg4[%dma_start3A_36, %mul3A_2, %dma_start3A_40] : memref<50x4096x128xf32, #tpu.memory_space<hbm>> -> memref<1x128x128xf32, #tpu.memory_space<hbm>>
    %dma_start3A_42 = tpu.memref_squeeze %dma_start3A_41 : memref<1x128x128xf32, #tpu.memory_space<hbm>> -> memref<128x128xf32, #tpu.memory_space<hbm>>
    tpu.enqueue_dma source(%arg6 : memref<128x128xf32, #tpu.memory_space<vmem>>) target(%dma_start3A_42 : memref<128x128xf32, #tpu.memory_space<hbm>>) target_semaphore(%arg16 : memref<!tpu.dma_semaphore, #tpu.memory_space<semaphore_mem>>)
    %dma_start3A_43 = arith.constant 4 : i32
    %dma_start3A_44 = arith.constant 0 : i32
    %dma_start3A_45 = tpu.memref_slice %arg5[%dma_start3A_43, %dma_start3A_44] : memref<50x128xi32, #tpu.memory_space<vmem>> -> memref<1x128xi32, #tpu.memory_space<vmem>>
    %dma_start3A_46 = tpu.memref_squeeze %dma_start3A_45 : memref<1x128xi32, #tpu.memory_space<vmem>> -> memref<128xi32, #tpu.memory_space<vmem>>
    %dma_start3A_47 = arith.constant 0 : i32
    %dma_start3A_48 = arith.constant 0 : i32
    %dma_start3A_49 = tpu.memref_slice %arg3[%dma_start3A_47, %dma_start3A_48] : memref<1000000x128xf32, #tpu.memory_space<hbm>> -> memref<1000000x128xf32, #tpu.memory_space<hbm>>
    tpu.enqueue_indirect_dma source(%dma_start3A_49 : memref<1000000x128xf32, #tpu.memory_space<hbm>>) target(%arg10 : memref<128x128xf32, #tpu.memory_space<vmem>>) offsets(%dma_start3A_46 : memref<128xi32, #tpu.memory_space<vmem>>) semaphore(%arg15 : memref<!tpu.dma_semaphore, #tpu.memory_space<semaphore_mem>>)
    %scan3A = arith.constant 0 : i32
    %scan3A_50 = arith.constant 0 : i32
    %scan3A_51 = arith.constant 9 : i32
    %scan3A_52 = arith.addi %scan3A_50, %scan3A_51 : i32
    %scan3A_53 = arith.constant 1 : i32
    scf.for %scan3A_156 = %scan3A_50 to %scan3A_52 step %scan3A_53  : i32 {
      %mul3A_157 = arith.constant 5 : i32
      %mul3A_158 = arith.muli %mul3A_157, %scan3A_156 : i32
      %add3A_159 = arith.constant 1 : i32
      %add3A_160 = arith.addi %add3A_159, %mul3A_158 : i32
      %add3A_161 = arith.constant 0 : i32
      %add3A_162 = arith.addi %add3A_160, %add3A_161 : i32
      %dma_wait3A_163 = arith.constant 0 : i32
      %dma_wait3A_164 = arith.constant 0 : i32
      %dma_wait3A_165 = tpu.memref_slice %arg5[%dma_wait3A_163, %dma_wait3A_164] : memref<50x128xi32, #tpu.memory_space<vmem>> -> memref<1x128xi32, #tpu.memory_space<vmem>>
      %dma_wait3A_166 = tpu.memref_squeeze %dma_wait3A_165 : memref<1x128xi32, #tpu.memory_space<vmem>> -> memref<128xi32, #tpu.memory_space<vmem>>
      %dma_wait3A_167 = arith.constant 0 : i32
      %dma_wait3A_168 = arith.constant 0 : i32
      %dma_wait3A_169 = tpu.memref_slice %arg3[%dma_wait3A_167, %dma_wait3A_168] : memref<1000000x128xf32, #tpu.memory_space<hbm>> -> memref<1000000x128xf32, #tpu.memory_space<hbm>>
      tpu.wait_indirect_dma semaphore(%arg12 : memref<!tpu.dma_semaphore, #tpu.memory_space<semaphore_mem>>) src(%dma_wait3A_169 : memref<1000000x128xf32, #tpu.memory_space<hbm>>) dst(%arg7 : memref<128x128xf32, #tpu.memory_space<vmem>>)
      %dma_start3A_170 = arith.constant 0 : i32
      %dma_start3A_171 = tpu.memref_slice %arg4[%add3A_162, %mul3A_2, %dma_start3A_170] : memref<50x4096x128xf32, #tpu.memory_space<hbm>> -> memref<1x128x128xf32, #tpu.memory_space<hbm>>
      %dma_start3A_172 = tpu.memref_squeeze %dma_start3A_171 : memref<1x128x128xf32, #tpu.memory_space<hbm>> -> memref<128x128xf32, #tpu.memory_space<hbm>>
      %dma_start3A_173 = arith.constant 0 : i32
      %dma_start3A_174 = tpu.memref_slice %arg4[%add3A_162, %mul3A_2, %dma_start3A_173] : memref<50x4096x128xf32, #tpu.memory_space<hbm>> -> memref<1x128x128xf32, #tpu.memory_space<hbm>>
      %dma_start3A_175 = tpu.memref_squeeze %dma_start3A_174 : memref<1x128x128xf32, #tpu.memory_space<hbm>> -> memref<128x128xf32, #tpu.memory_space<hbm>>
      tpu.enqueue_dma source(%arg7 : memref<128x128xf32, #tpu.memory_space<vmem>>) target(%dma_start3A_175 : memref<128x128xf32, #tpu.memory_space<hbm>>) target_semaphore(%arg17 : memref<!tpu.dma_semaphore, #tpu.memory_space<semaphore_mem>>)
      %dma_wait3A_176 = arith.constant 0 : i32
      %dma_wait3A_177 = arith.constant 0 : i32
      %dma_wait3A_178 = arith.constant 0 : i32
      %dma_wait3A_179 = tpu.memref_slice %arg4[%dma_wait3A_176, %dma_wait3A_177, %dma_wait3A_178] : memref<50x4096x128xf32, #tpu.memory_space<hbm>> -> memref<1x128x128xf32, #tpu.memory_space<hbm>>
      %dma_wait3A_180 = tpu.memref_squeeze %dma_wait3A_179 : memref<1x128x128xf32, #tpu.memory_space<hbm>> -> memref<128x128xf32, #tpu.memory_space<hbm>>
      %dma_wait3A_181 = arith.constant 0 : i32
      %dma_wait3A_182 = arith.constant 0 : i32
      %dma_wait3A_183 = tpu.memref_slice %arg4[%dma_wait3A_176, %dma_wait3A_181, %dma_wait3A_182] : memref<50x4096x128xf32, #tpu.memory_space<hbm>> -> memref<1x128x128xf32, #tpu.memory_space<hbm>>
      %dma_wait3A_184 = tpu.memref_squeeze %dma_wait3A_183 : memref<1x128x128xf32, #tpu.memory_space<hbm>> -> memref<128x128xf32, #tpu.memory_space<hbm>>
      tpu.wait_dma2 semaphore(%arg16 : memref<!tpu.dma_semaphore, #tpu.memory_space<semaphore_mem>>) src(%arg6 : memref<128x128xf32, #tpu.memory_space<vmem>>) dst(%dma_wait3A_184 : memref<128x128xf32, #tpu.memory_space<hbm>>)
      %add3A_185 = arith.constant 5 : i32
      %add3A_186 = arith.addi %add3A_162, %add3A_185 : i32
      %sub3A = arith.constant 1 : i32
      %sub3A_187 = arith.subi %add3A_186, %sub3A : i32
      %dma_start3A_188 = arith.constant 0 : i32
      %dma_start3A_189 = tpu.memref_slice %arg5[%sub3A_187, %dma_start3A_188] : memref<50x128xi32, #tpu.memory_space<vmem>> -> memref<1x128xi32, #tpu.memory_space<vmem>>
      %dma_start3A_190 = tpu.memref_squeeze %dma_start3A_189 : memref<1x128xi32, #tpu.memory_space<vmem>> -> memref<128xi32, #tpu.memory_space<vmem>>
      %dma_start3A_191 = arith.constant 0 : i32
      %dma_start3A_192 = arith.constant 0 : i32
      %dma_start3A_193 = tpu.memref_slice %arg3[%dma_start3A_191, %dma_start3A_192] : memref<1000000x128xf32, #tpu.memory_space<hbm>> -> memref<1000000x128xf32, #tpu.memory_space<hbm>>
      tpu.enqueue_indirect_dma source(%dma_start3A_193 : memref<1000000x128xf32, #tpu.memory_space<hbm>>) target(%arg6 : memref<128x128xf32, #tpu.memory_space<vmem>>) offsets(%dma_start3A_190 : memref<128xi32, #tpu.memory_space<vmem>>) semaphore(%arg11 : memref<!tpu.dma_semaphore, #tpu.memory_space<semaphore_mem>>)
      %add3A_194 = arith.constant 1 : i32
      %add3A_195 = arith.addi %add3A_160, %add3A_194 : i32
      %dma_wait3A_196 = arith.constant 0 : i32
      %dma_wait3A_197 = arith.constant 0 : i32
      %dma_wait3A_198 = tpu.memref_slice %arg5[%dma_wait3A_196, %dma_wait3A_197] : memref<50x128xi32, #tpu.memory_space<vmem>> -> memref<1x128xi32, #tpu.memory_space<vmem>>
      %dma_wait3A_199 = tpu.memref_squeeze %dma_wait3A_198 : memref<1x128xi32, #tpu.memory_space<vmem>> -> memref<128xi32, #tpu.memory_space<vmem>>
      %dma_wait3A_200 = arith.constant 0 : i32
      %dma_wait3A_201 = arith.constant 0 : i32
      %dma_wait3A_202 = tpu.memref_slice %arg3[%dma_wait3A_200, %dma_wait3A_201] : memref<1000000x128xf32, #tpu.memory_space<hbm>> -> memref<1000000x128xf32, #tpu.memory_space<hbm>>
      tpu.wait_indirect_dma semaphore(%arg13 : memref<!tpu.dma_semaphore, #tpu.memory_space<semaphore_mem>>) src(%dma_wait3A_202 : memref<1000000x128xf32, #tpu.memory_space<hbm>>) dst(%arg8 : memref<128x128xf32, #tpu.memory_space<vmem>>)
      %dma_start3A_203 = arith.constant 0 : i32
      %dma_start3A_204 = tpu.memref_slice %arg4[%add3A_195, %mul3A_2, %dma_start3A_203] : memref<50x4096x128xf32, #tpu.memory_space<hbm>> -> memref<1x128x128xf32, #tpu.memory_space<hbm>>
      %dma_start3A_205 = tpu.memref_squeeze %dma_start3A_204 : memref<1x128x128xf32, #tpu.memory_space<hbm>> -> memref<128x128xf32, #tpu.memory_space<hbm>>
      %dma_start3A_206 = arith.constant 0 : i32
      %dma_start3A_207 = tpu.memref_slice %arg4[%add3A_195, %mul3A_2, %dma_start3A_206] : memref<50x4096x128xf32, #tpu.memory_space<hbm>> -> memref<1x128x128xf32, #tpu.memory_space<hbm>>
      %dma_start3A_208 = tpu.memref_squeeze %dma_start3A_207 : memref<1x128x128xf32, #tpu.memory_space<hbm>> -> memref<128x128xf32, #tpu.memory_space<hbm>>
      tpu.enqueue_dma source(%arg8 : memref<128x128xf32, #tpu.memory_space<vmem>>) target(%dma_start3A_208 : memref<128x128xf32, #tpu.memory_space<hbm>>) target_semaphore(%arg18 : memref<!tpu.dma_semaphore, #tpu.memory_space<semaphore_mem>>)
      %dma_wait3A_209 = arith.constant 0 : i32
      %dma_wait3A_210 = arith.constant 0 : i32
      %dma_wait3A_211 = arith.constant 0 : i32
      %dma_wait3A_212 = tpu.memref_slice %arg4[%dma_wait3A_209, %dma_wait3A_210, %dma_wait3A_211] : memref<50x4096x128xf32, #tpu.memory_space<hbm>> -> memref<1x128x128xf32, #tpu.memory_space<hbm>>
      %dma_wait3A_213 = tpu.memref_squeeze %dma_wait3A_212 : memref<1x128x128xf32, #tpu.memory_space<hbm>> -> memref<128x128xf32, #tpu.memory_space<hbm>>
      %dma_wait3A_214 = arith.constant 0 : i32
      %dma_wait3A_215 = arith.constant 0 : i32
      %dma_wait3A_216 = tpu.memref_slice %arg4[%dma_wait3A_209, %dma_wait3A_214, %dma_wait3A_215] : memref<50x4096x128xf32, #tpu.memory_space<hbm>> -> memref<1x128x128xf32, #tpu.memory_space<hbm>>
      %dma_wait3A_217 = tpu.memref_squeeze %dma_wait3A_216 : memref<1x128x128xf32, #tpu.memory_space<hbm>> -> memref<128x128xf32, #tpu.memory_space<hbm>>
      tpu.wait_dma2 semaphore(%arg17 : memref<!tpu.dma_semaphore, #tpu.memory_space<semaphore_mem>>) src(%arg7 : memref<128x128xf32, #tpu.memory_space<vmem>>) dst(%dma_wait3A_217 : memref<128x128xf32, #tpu.memory_space<hbm>>)
      %add3A_218 = arith.constant 5 : i32
      %add3A_219 = arith.addi %add3A_195, %add3A_218 : i32
      %sub3A_220 = arith.constant 1 : i32
      %sub3A_221 = arith.subi %add3A_219, %sub3A_220 : i32
      %dma_start3A_222 = arith.constant 0 : i32
      %dma_start3A_223 = tpu.memref_slice %arg5[%sub3A_221, %dma_start3A_222] : memref<50x128xi32, #tpu.memory_space<vmem>> -> memref<1x128xi32, #tpu.memory_space<vmem>>
      %dma_start3A_224 = tpu.memref_squeeze %dma_start3A_223 : memref<1x128xi32, #tpu.memory_space<vmem>> -> memref<128xi32, #tpu.memory_space<vmem>>
      %dma_start3A_225 = arith.constant 0 : i32
      %dma_start3A_226 = arith.constant 0 : i32
      %dma_start3A_227 = tpu.memref_slice %arg3[%dma_start3A_225, %dma_start3A_226] : memref<1000000x128xf32, #tpu.memory_space<hbm>> -> memref<1000000x128xf32, #tpu.memory_space<hbm>>
      tpu.enqueue_indirect_dma source(%dma_start3A_227 : memref<1000000x128xf32, #tpu.memory_space<hbm>>) target(%arg7 : memref<128x128xf32, #tpu.memory_space<vmem>>) offsets(%dma_start3A_224 : memref<128xi32, #tpu.memory_space<vmem>>) semaphore(%arg12 : memref<!tpu.dma_semaphore, #tpu.memory_space<semaphore_mem>>)
      %add3A_228 = arith.constant 2 : i32
      %add3A_229 = arith.addi %add3A_160, %add3A_228 : i32
      %dma_wait3A_230 = arith.constant 0 : i32
      %dma_wait3A_231 = arith.constant 0 : i32
      %dma_wait3A_232 = tpu.memref_slice %arg5[%dma_wait3A_230, %dma_wait3A_231] : memref<50x128xi32, #tpu.memory_space<vmem>> -> memref<1x128xi32, #tpu.memory_space<vmem>>
      %dma_wait3A_233 = tpu.memref_squeeze %dma_wait3A_232 : memref<1x128xi32, #tpu.memory_space<vmem>> -> memref<128xi32, #tpu.memory_space<vmem>>
      %dma_wait3A_234 = arith.constant 0 : i32
      %dma_wait3A_235 = arith.constant 0 : i32
      %dma_wait3A_236 = tpu.memref_slice %arg3[%dma_wait3A_234, %dma_wait3A_235] : memref<1000000x128xf32, #tpu.memory_space<hbm>> -> memref<1000000x128xf32, #tpu.memory_space<hbm>>
      tpu.wait_indirect_dma semaphore(%arg14 : memref<!tpu.dma_semaphore, #tpu.memory_space<semaphore_mem>>) src(%dma_wait3A_236 : memref<1000000x128xf32, #tpu.memory_space<hbm>>) dst(%arg9 : memref<128x128xf32, #tpu.memory_space<vmem>>)
      %dma_start3A_237 = arith.constant 0 : i32
      %dma_start3A_238 = tpu.memref_slice %arg4[%add3A_229, %mul3A_2, %dma_start3A_237] : memref<50x4096x128xf32, #tpu.memory_space<hbm>> -> memref<1x128x128xf32, #tpu.memory_space<hbm>>
      %dma_start3A_239 = tpu.memref_squeeze %dma_start3A_238 : memref<1x128x128xf32, #tpu.memory_space<hbm>> -> memref<128x128xf32, #tpu.memory_space<hbm>>
      %dma_start3A_240 = arith.constant 0 : i32
      %dma_start3A_241 = tpu.memref_slice %arg4[%add3A_229, %mul3A_2, %dma_start3A_240] : memref<50x4096x128xf32, #tpu.memory_space<hbm>> -> memref<1x128x128xf32, #tpu.memory_space<hbm>>
      %dma_start3A_242 = tpu.memref_squeeze %dma_start3A_241 : memref<1x128x128xf32, #tpu.memory_space<hbm>> -> memref<128x128xf32, #tpu.memory_space<hbm>>
      tpu.enqueue_dma source(%arg9 : memref<128x128xf32, #tpu.memory_space<vmem>>) target(%dma_start3A_242 : memref<128x128xf32, #tpu.memory_space<hbm>>) target_semaphore(%arg19 : memref<!tpu.dma_semaphore, #tpu.memory_space<semaphore_mem>>)
      %dma_wait3A_243 = arith.constant 0 : i32
      %dma_wait3A_244 = arith.constant 0 : i32
      %dma_wait3A_245 = arith.constant 0 : i32
      %dma_wait3A_246 = tpu.memref_slice %arg4[%dma_wait3A_243, %dma_wait3A_244, %dma_wait3A_245] : memref<50x4096x128xf32, #tpu.memory_space<hbm>> -> memref<1x128x128xf32, #tpu.memory_space<hbm>>
      %dma_wait3A_247 = tpu.memref_squeeze %dma_wait3A_246 : memref<1x128x128xf32, #tpu.memory_space<hbm>> -> memref<128x128xf32, #tpu.memory_space<hbm>>
      %dma_wait3A_248 = arith.constant 0 : i32
      %dma_wait3A_249 = arith.constant 0 : i32
      %dma_wait3A_250 = tpu.memref_slice %arg4[%dma_wait3A_243, %dma_wait3A_248, %dma_wait3A_249] : memref<50x4096x128xf32, #tpu.memory_space<hbm>> -> memref<1x128x128xf32, #tpu.memory_space<hbm>>
      %dma_wait3A_251 = tpu.memref_squeeze %dma_wait3A_250 : memref<1x128x128xf32, #tpu.memory_space<hbm>> -> memref<128x128xf32, #tpu.memory_space<hbm>>
      tpu.wait_dma2 semaphore(%arg18 : memref<!tpu.dma_semaphore, #tpu.memory_space<semaphore_mem>>) src(%arg8 : memref<128x128xf32, #tpu.memory_space<vmem>>) dst(%dma_wait3A_251 : memref<128x128xf32, #tpu.memory_space<hbm>>)
      %add3A_252 = arith.constant 5 : i32
      %add3A_253 = arith.addi %add3A_229, %add3A_252 : i32
      %sub3A_254 = arith.constant 1 : i32
      %sub3A_255 = arith.subi %add3A_253, %sub3A_254 : i32
      %dma_start3A_256 = arith.constant 0 : i32
      %dma_start3A_257 = tpu.memref_slice %arg5[%sub3A_255, %dma_start3A_256] : memref<50x128xi32, #tpu.memory_space<vmem>> -> memref<1x128xi32, #tpu.memory_space<vmem>>
      %dma_start3A_258 = tpu.memref_squeeze %dma_start3A_257 : memref<1x128xi32, #tpu.memory_space<vmem>> -> memref<128xi32, #tpu.memory_space<vmem>>
      %dma_start3A_259 = arith.constant 0 : i32
      %dma_start3A_260 = arith.constant 0 : i32
      %dma_start3A_261 = tpu.memref_slice %arg3[%dma_start3A_259, %dma_start3A_260] : memref<1000000x128xf32, #tpu.memory_space<hbm>> -> memref<1000000x128xf32, #tpu.memory_space<hbm>>
      tpu.enqueue_indirect_dma source(%dma_start3A_261 : memref<1000000x128xf32, #tpu.memory_space<hbm>>) target(%arg8 : memref<128x128xf32, #tpu.memory_space<vmem>>) offsets(%dma_start3A_258 : memref<128xi32, #tpu.memory_space<vmem>>) semaphore(%arg13 : memref<!tpu.dma_semaphore, #tpu.memory_space<semaphore_mem>>)
      %add3A_262 = arith.constant 3 : i32
      %add3A_263 = arith.addi %add3A_160, %add3A_262 : i32
      %dma_wait3A_264 = arith.constant 0 : i32
      %dma_wait3A_265 = arith.constant 0 : i32
      %dma_wait3A_266 = tpu.memref_slice %arg5[%dma_wait3A_264, %dma_wait3A_265] : memref<50x128xi32, #tpu.memory_space<vmem>> -> memref<1x128xi32, #tpu.memory_space<vmem>>
      %dma_wait3A_267 = tpu.memref_squeeze %dma_wait3A_266 : memref<1x128xi32, #tpu.memory_space<vmem>> -> memref<128xi32, #tpu.memory_space<vmem>>
      %dma_wait3A_268 = arith.constant 0 : i32
      %dma_wait3A_269 = arith.constant 0 : i32
      %dma_wait3A_270 = tpu.memref_slice %arg3[%dma_wait3A_268, %dma_wait3A_269] : memref<1000000x128xf32, #tpu.memory_space<hbm>> -> memref<1000000x128xf32, #tpu.memory_space<hbm>>
      tpu.wait_indirect_dma semaphore(%arg15 : memref<!tpu.dma_semaphore, #tpu.memory_space<semaphore_mem>>) src(%dma_wait3A_270 : memref<1000000x128xf32, #tpu.memory_space<hbm>>) dst(%arg10 : memref<128x128xf32, #tpu.memory_space<vmem>>)
      %dma_start3A_271 = arith.constant 0 : i32
      %dma_start3A_272 = tpu.memref_slice %arg4[%add3A_263, %mul3A_2, %dma_start3A_271] : memref<50x4096x128xf32, #tpu.memory_space<hbm>> -> memref<1x128x128xf32, #tpu.memory_space<hbm>>
      %dma_start3A_273 = tpu.memref_squeeze %dma_start3A_272 : memref<1x128x128xf32, #tpu.memory_space<hbm>> -> memref<128x128xf32, #tpu.memory_space<hbm>>
      %dma_start3A_274 = arith.constant 0 : i32
      %dma_start3A_275 = tpu.memref_slice %arg4[%add3A_263, %mul3A_2, %dma_start3A_274] : memref<50x4096x128xf32, #tpu.memory_space<hbm>> -> memref<1x128x128xf32, #tpu.memory_space<hbm>>
      %dma_start3A_276 = tpu.memref_squeeze %dma_start3A_275 : memref<1x128x128xf32, #tpu.memory_space<hbm>> -> memref<128x128xf32, #tpu.memory_space<hbm>>
      tpu.enqueue_dma source(%arg10 : memref<128x128xf32, #tpu.memory_space<vmem>>) target(%dma_start3A_276 : memref<128x128xf32, #tpu.memory_space<hbm>>) target_semaphore(%arg20 : memref<!tpu.dma_semaphore, #tpu.memory_space<semaphore_mem>>)
      %dma_wait3A_277 = arith.constant 0 : i32
      %dma_wait3A_278 = arith.constant 0 : i32
      %dma_wait3A_279 = arith.constant 0 : i32
      %dma_wait3A_280 = tpu.memref_slice %arg4[%dma_wait3A_277, %dma_wait3A_278, %dma_wait3A_279] : memref<50x4096x128xf32, #tpu.memory_space<hbm>> -> memref<1x128x128xf32, #tpu.memory_space<hbm>>
      %dma_wait3A_281 = tpu.memref_squeeze %dma_wait3A_280 : memref<1x128x128xf32, #tpu.memory_space<hbm>> -> memref<128x128xf32, #tpu.memory_space<hbm>>
      %dma_wait3A_282 = arith.constant 0 : i32
      %dma_wait3A_283 = arith.constant 0 : i32
      %dma_wait3A_284 = tpu.memref_slice %arg4[%dma_wait3A_277, %dma_wait3A_282, %dma_wait3A_283] : memref<50x4096x128xf32, #tpu.memory_space<hbm>> -> memref<1x128x128xf32, #tpu.memory_space<hbm>>
      %dma_wait3A_285 = tpu.memref_squeeze %dma_wait3A_284 : memref<1x128x128xf32, #tpu.memory_space<hbm>> -> memref<128x128xf32, #tpu.memory_space<hbm>>
      tpu.wait_dma2 semaphore(%arg19 : memref<!tpu.dma_semaphore, #tpu.memory_space<semaphore_mem>>) src(%arg9 : memref<128x128xf32, #tpu.memory_space<vmem>>) dst(%dma_wait3A_285 : memref<128x128xf32, #tpu.memory_space<hbm>>)
      %add3A_286 = arith.constant 5 : i32
      %add3A_287 = arith.addi %add3A_263, %add3A_286 : i32
      %sub3A_288 = arith.constant 1 : i32
      %sub3A_289 = arith.subi %add3A_287, %sub3A_288 : i32
      %dma_start3A_290 = arith.constant 0 : i32
      %dma_start3A_291 = tpu.memref_slice %arg5[%sub3A_289, %dma_start3A_290] : memref<50x128xi32, #tpu.memory_space<vmem>> -> memref<1x128xi32, #tpu.memory_space<vmem>>
      %dma_start3A_292 = tpu.memref_squeeze %dma_start3A_291 : memref<1x128xi32, #tpu.memory_space<vmem>> -> memref<128xi32, #tpu.memory_space<vmem>>
      %dma_start3A_293 = arith.constant 0 : i32
      %dma_start3A_294 = arith.constant 0 : i32
      %dma_start3A_295 = tpu.memref_slice %arg3[%dma_start3A_293, %dma_start3A_294] : memref<1000000x128xf32, #tpu.memory_space<hbm>> -> memref<1000000x128xf32, #tpu.memory_space<hbm>>
      tpu.enqueue_indirect_dma source(%dma_start3A_295 : memref<1000000x128xf32, #tpu.memory_space<hbm>>) target(%arg9 : memref<128x128xf32, #tpu.memory_space<vmem>>) offsets(%dma_start3A_292 : memref<128xi32, #tpu.memory_space<vmem>>) semaphore(%arg14 : memref<!tpu.dma_semaphore, #tpu.memory_space<semaphore_mem>>)
      %add3A_296 = arith.constant 4 : i32
      %add3A_297 = arith.addi %add3A_160, %add3A_296 : i32
      %dma_wait3A_298 = arith.constant 0 : i32
      %dma_wait3A_299 = arith.constant 0 : i32
      %dma_wait3A_300 = tpu.memref_slice %arg5[%dma_wait3A_298, %dma_wait3A_299] : memref<50x128xi32, #tpu.memory_space<vmem>> -> memref<1x128xi32, #tpu.memory_space<vmem>>
      %dma_wait3A_301 = tpu.memref_squeeze %dma_wait3A_300 : memref<1x128xi32, #tpu.memory_space<vmem>> -> memref<128xi32, #tpu.memory_space<vmem>>
      %dma_wait3A_302 = arith.constant 0 : i32
      %dma_wait3A_303 = arith.constant 0 : i32
      %dma_wait3A_304 = tpu.memref_slice %arg3[%dma_wait3A_302, %dma_wait3A_303] : memref<1000000x128xf32, #tpu.memory_space<hbm>> -> memref<1000000x128xf32, #tpu.memory_space<hbm>>
      tpu.wait_indirect_dma semaphore(%arg11 : memref<!tpu.dma_semaphore, #tpu.memory_space<semaphore_mem>>) src(%dma_wait3A_304 : memref<1000000x128xf32, #tpu.memory_space<hbm>>) dst(%arg6 : memref<128x128xf32, #tpu.memory_space<vmem>>)
      %dma_start3A_305 = arith.constant 0 : i32
      %dma_start3A_306 = tpu.memref_slice %arg4[%add3A_297, %mul3A_2, %dma_start3A_305] : memref<50x4096x128xf32, #tpu.memory_space<hbm>> -> memref<1x128x128xf32, #tpu.memory_space<hbm>>
      %dma_start3A_307 = tpu.memref_squeeze %dma_start3A_306 : memref<1x128x128xf32, #tpu.memory_space<hbm>> -> memref<128x128xf32, #tpu.memory_space<hbm>>
      %dma_start3A_308 = arith.constant 0 : i32
      %dma_start3A_309 = tpu.memref_slice %arg4[%add3A_297, %mul3A_2, %dma_start3A_308] : memref<50x4096x128xf32, #tpu.memory_space<hbm>> -> memref<1x128x128xf32, #tpu.memory_space<hbm>>
      %dma_start3A_310 = tpu.memref_squeeze %dma_start3A_309 : memref<1x128x128xf32, #tpu.memory_space<hbm>> -> memref<128x128xf32, #tpu.memory_space<hbm>>
      tpu.enqueue_dma source(%arg6 : memref<128x128xf32, #tpu.memory_space<vmem>>) target(%dma_start3A_310 : memref<128x128xf32, #tpu.memory_space<hbm>>) target_semaphore(%arg16 : memref<!tpu.dma_semaphore, #tpu.memory_space<semaphore_mem>>)
      %dma_wait3A_311 = arith.constant 0 : i32
      %dma_wait3A_312 = arith.constant 0 : i32
      %dma_wait3A_313 = arith.constant 0 : i32
      %dma_wait3A_314 = tpu.memref_slice %arg4[%dma_wait3A_311, %dma_wait3A_312, %dma_wait3A_313] : memref<50x4096x128xf32, #tpu.memory_space<hbm>> -> memref<1x128x128xf32, #tpu.memory_space<hbm>>
      %dma_wait3A_315 = tpu.memref_squeeze %dma_wait3A_314 : memref<1x128x128xf32, #tpu.memory_space<hbm>> -> memref<128x128xf32, #tpu.memory_space<hbm>>
      %dma_wait3A_316 = arith.constant 0 : i32
      %dma_wait3A_317 = arith.constant 0 : i32
      %dma_wait3A_318 = tpu.memref_slice %arg4[%dma_wait3A_311, %dma_wait3A_316, %dma_wait3A_317] : memref<50x4096x128xf32, #tpu.memory_space<hbm>> -> memref<1x128x128xf32, #tpu.memory_space<hbm>>
      %dma_wait3A_319 = tpu.memref_squeeze %dma_wait3A_318 : memref<1x128x128xf32, #tpu.memory_space<hbm>> -> memref<128x128xf32, #tpu.memory_space<hbm>>
      tpu.wait_dma2 semaphore(%arg20 : memref<!tpu.dma_semaphore, #tpu.memory_space<semaphore_mem>>) src(%arg10 : memref<128x128xf32, #tpu.memory_space<vmem>>) dst(%dma_wait3A_319 : memref<128x128xf32, #tpu.memory_space<hbm>>)
      %add3A_320 = arith.constant 5 : i32
      %add3A_321 = arith.addi %add3A_297, %add3A_320 : i32
      %sub3A_322 = arith.constant 1 : i32
      %sub3A_323 = arith.subi %add3A_321, %sub3A_322 : i32
      %dma_start3A_324 = arith.constant 0 : i32
      %dma_start3A_325 = tpu.memref_slice %arg5[%sub3A_323, %dma_start3A_324] : memref<50x128xi32, #tpu.memory_space<vmem>> -> memref<1x128xi32, #tpu.memory_space<vmem>>
      %dma_start3A_326 = tpu.memref_squeeze %dma_start3A_325 : memref<1x128xi32, #tpu.memory_space<vmem>> -> memref<128xi32, #tpu.memory_space<vmem>>
      %dma_start3A_327 = arith.constant 0 : i32
      %dma_start3A_328 = arith.constant 0 : i32
      %dma_start3A_329 = tpu.memref_slice %arg3[%dma_start3A_327, %dma_start3A_328] : memref<1000000x128xf32, #tpu.memory_space<hbm>> -> memref<1000000x128xf32, #tpu.memory_space<hbm>>
      tpu.enqueue_indirect_dma source(%dma_start3A_329 : memref<1000000x128xf32, #tpu.memory_space<hbm>>) target(%arg10 : memref<128x128xf32, #tpu.memory_space<vmem>>) offsets(%dma_start3A_326 : memref<128xi32, #tpu.memory_space<vmem>>) semaphore(%arg15 : memref<!tpu.dma_semaphore, #tpu.memory_space<semaphore_mem>>)
    }
    %scan3A_54 = arith.constant 9 : i32
    %dma_wait3A_55 = arith.constant 0 : i32
    %dma_wait3A_56 = arith.constant 0 : i32
    %dma_wait3A_57 = tpu.memref_slice %arg5[%dma_wait3A_55, %dma_wait3A_56] : memref<50x128xi32, #tpu.memory_space<vmem>> -> memref<1x128xi32, #tpu.memory_space<vmem>>
    %dma_wait3A_58 = tpu.memref_squeeze %dma_wait3A_57 : memref<1x128xi32, #tpu.memory_space<vmem>> -> memref<128xi32, #tpu.memory_space<vmem>>
    %dma_wait3A_59 = arith.constant 0 : i32
    %dma_wait3A_60 = arith.constant 0 : i32
    %dma_wait3A_61 = tpu.memref_slice %arg3[%dma_wait3A_59, %dma_wait3A_60] : memref<1000000x128xf32, #tpu.memory_space<hbm>> -> memref<1000000x128xf32, #tpu.memory_space<hbm>>
    tpu.wait_indirect_dma semaphore(%arg12 : memref<!tpu.dma_semaphore, #tpu.memory_space<semaphore_mem>>) src(%dma_wait3A_61 : memref<1000000x128xf32, #tpu.memory_space<hbm>>) dst(%arg7 : memref<128x128xf32, #tpu.memory_space<vmem>>)
    %dma_start3A_62 = arith.constant 46 : i32
    %dma_start3A_63 = arith.constant 0 : i32
    %dma_start3A_64 = tpu.memref_slice %arg4[%dma_start3A_62, %mul3A_2, %dma_start3A_63] : memref<50x4096x128xf32, #tpu.memory_space<hbm>> -> memref<1x128x128xf32, #tpu.memory_space<hbm>>
    %dma_start3A_65 = tpu.memref_squeeze %dma_start3A_64 : memref<1x128x128xf32, #tpu.memory_space<hbm>> -> memref<128x128xf32, #tpu.memory_space<hbm>>
    %dma_start3A_66 = arith.constant 0 : i32
    %dma_start3A_67 = tpu.memref_slice %arg4[%dma_start3A_62, %mul3A_2, %dma_start3A_66] : memref<50x4096x128xf32, #tpu.memory_space<hbm>> -> memref<1x128x128xf32, #tpu.memory_space<hbm>>
    %dma_start3A_68 = tpu.memref_squeeze %dma_start3A_67 : memref<1x128x128xf32, #tpu.memory_space<hbm>> -> memref<128x128xf32, #tpu.memory_space<hbm>>
    tpu.enqueue_dma source(%arg7 : memref<128x128xf32, #tpu.memory_space<vmem>>) target(%dma_start3A_68 : memref<128x128xf32, #tpu.memory_space<hbm>>) target_semaphore(%arg17 : memref<!tpu.dma_semaphore, #tpu.memory_space<semaphore_mem>>)
    %dma_wait3A_69 = arith.constant 0 : i32
    %dma_wait3A_70 = arith.constant 0 : i32
    %dma_wait3A_71 = arith.constant 0 : i32
    %dma_wait3A_72 = tpu.memref_slice %arg4[%dma_wait3A_69, %dma_wait3A_70, %dma_wait3A_71] : memref<50x4096x128xf32, #tpu.memory_space<hbm>> -> memref<1x128x128xf32, #tpu.memory_space<hbm>>
    %dma_wait3A_73 = tpu.memref_squeeze %dma_wait3A_72 : memref<1x128x128xf32, #tpu.memory_space<hbm>> -> memref<128x128xf32, #tpu.memory_space<hbm>>
    %dma_wait3A_74 = arith.constant 0 : i32
    %dma_wait3A_75 = arith.constant 0 : i32
    %dma_wait3A_76 = tpu.memref_slice %arg4[%dma_wait3A_69, %dma_wait3A_74, %dma_wait3A_75] : memref<50x4096x128xf32, #tpu.memory_space<hbm>> -> memref<1x128x128xf32, #tpu.memory_space<hbm>>
    %dma_wait3A_77 = tpu.memref_squeeze %dma_wait3A_76 : memref<1x128x128xf32, #tpu.memory_space<hbm>> -> memref<128x128xf32, #tpu.memory_space<hbm>>
    tpu.wait_dma2 semaphore(%arg16 : memref<!tpu.dma_semaphore, #tpu.memory_space<semaphore_mem>>) src(%arg6 : memref<128x128xf32, #tpu.memory_space<vmem>>) dst(%dma_wait3A_77 : memref<128x128xf32, #tpu.memory_space<hbm>>)
    %dma_wait3A_78 = arith.constant 0 : i32
    %dma_wait3A_79 = arith.constant 0 : i32
    %dma_wait3A_80 = tpu.memref_slice %arg5[%dma_wait3A_78, %dma_wait3A_79] : memref<50x128xi32, #tpu.memory_space<vmem>> -> memref<1x128xi32, #tpu.memory_space<vmem>>
    %dma_wait3A_81 = tpu.memref_squeeze %dma_wait3A_80 : memref<1x128xi32, #tpu.memory_space<vmem>> -> memref<128xi32, #tpu.memory_space<vmem>>
    %dma_wait3A_82 = arith.constant 0 : i32
    %dma_wait3A_83 = arith.constant 0 : i32
    %dma_wait3A_84 = tpu.memref_slice %arg3[%dma_wait3A_82, %dma_wait3A_83] : memref<1000000x128xf32, #tpu.memory_space<hbm>> -> memref<1000000x128xf32, #tpu.memory_space<hbm>>
    tpu.wait_indirect_dma semaphore(%arg13 : memref<!tpu.dma_semaphore, #tpu.memory_space<semaphore_mem>>) src(%dma_wait3A_84 : memref<1000000x128xf32, #tpu.memory_space<hbm>>) dst(%arg8 : memref<128x128xf32, #tpu.memory_space<vmem>>)
    %dma_start3A_85 = arith.constant 47 : i32
    %dma_start3A_86 = arith.constant 0 : i32
    %dma_start3A_87 = tpu.memref_slice %arg4[%dma_start3A_85, %mul3A_2, %dma_start3A_86] : memref<50x4096x128xf32, #tpu.memory_space<hbm>> -> memref<1x128x128xf32, #tpu.memory_space<hbm>>
    %dma_start3A_88 = tpu.memref_squeeze %dma_start3A_87 : memref<1x128x128xf32, #tpu.memory_space<hbm>> -> memref<128x128xf32, #tpu.memory_space<hbm>>
    %dma_start3A_89 = arith.constant 0 : i32
    %dma_start3A_90 = tpu.memref_slice %arg4[%dma_start3A_85, %mul3A_2, %dma_start3A_89] : memref<50x4096x128xf32, #tpu.memory_space<hbm>> -> memref<1x128x128xf32, #tpu.memory_space<hbm>>
    %dma_start3A_91 = tpu.memref_squeeze %dma_start3A_90 : memref<1x128x128xf32, #tpu.memory_space<hbm>> -> memref<128x128xf32, #tpu.memory_space<hbm>>
    tpu.enqueue_dma source(%arg8 : memref<128x128xf32, #tpu.memory_space<vmem>>) target(%dma_start3A_91 : memref<128x128xf32, #tpu.memory_space<hbm>>) target_semaphore(%arg18 : memref<!tpu.dma_semaphore, #tpu.memory_space<semaphore_mem>>)
    %dma_wait3A_92 = arith.constant 0 : i32
    %dma_wait3A_93 = arith.constant 0 : i32
    %dma_wait3A_94 = arith.constant 0 : i32
    %dma_wait3A_95 = tpu.memref_slice %arg4[%dma_wait3A_92, %dma_wait3A_93, %dma_wait3A_94] : memref<50x4096x128xf32, #tpu.memory_space<hbm>> -> memref<1x128x128xf32, #tpu.memory_space<hbm>>
    %dma_wait3A_96 = tpu.memref_squeeze %dma_wait3A_95 : memref<1x128x128xf32, #tpu.memory_space<hbm>> -> memref<128x128xf32, #tpu.memory_space<hbm>>
    %dma_wait3A_97 = arith.constant 0 : i32
    %dma_wait3A_98 = arith.constant 0 : i32
    %dma_wait3A_99 = tpu.memref_slice %arg4[%dma_wait3A_92, %dma_wait3A_97, %dma_wait3A_98] : memref<50x4096x128xf32, #tpu.memory_space<hbm>> -> memref<1x128x128xf32, #tpu.memory_space<hbm>>
    %dma_wait3A_100 = tpu.memref_squeeze %dma_wait3A_99 : memref<1x128x128xf32, #tpu.memory_space<hbm>> -> memref<128x128xf32, #tpu.memory_space<hbm>>
    tpu.wait_dma2 semaphore(%arg17 : memref<!tpu.dma_semaphore, #tpu.memory_space<semaphore_mem>>) src(%arg7 : memref<128x128xf32, #tpu.memory_space<vmem>>) dst(%dma_wait3A_100 : memref<128x128xf32, #tpu.memory_space<hbm>>)
    %dma_wait3A_101 = arith.constant 0 : i32
    %dma_wait3A_102 = arith.constant 0 : i32
    %dma_wait3A_103 = tpu.memref_slice %arg5[%dma_wait3A_101, %dma_wait3A_102] : memref<50x128xi32, #tpu.memory_space<vmem>> -> memref<1x128xi32, #tpu.memory_space<vmem>>
    %dma_wait3A_104 = tpu.memref_squeeze %dma_wait3A_103 : memref<1x128xi32, #tpu.memory_space<vmem>> -> memref<128xi32, #tpu.memory_space<vmem>>
    %dma_wait3A_105 = arith.constant 0 : i32
    %dma_wait3A_106 = arith.constant 0 : i32
    %dma_wait3A_107 = tpu.memref_slice %arg3[%dma_wait3A_105, %dma_wait3A_106] : memref<1000000x128xf32, #tpu.memory_space<hbm>> -> memref<1000000x128xf32, #tpu.memory_space<hbm>>
    tpu.wait_indirect_dma semaphore(%arg14 : memref<!tpu.dma_semaphore, #tpu.memory_space<semaphore_mem>>) src(%dma_wait3A_107 : memref<1000000x128xf32, #tpu.memory_space<hbm>>) dst(%arg9 : memref<128x128xf32, #tpu.memory_space<vmem>>)
    %dma_start3A_108 = arith.constant 48 : i32
    %dma_start3A_109 = arith.constant 0 : i32
    %dma_start3A_110 = tpu.memref_slice %arg4[%dma_start3A_108, %mul3A_2, %dma_start3A_109] : memref<50x4096x128xf32, #tpu.memory_space<hbm>> -> memref<1x128x128xf32, #tpu.memory_space<hbm>>
    %dma_start3A_111 = tpu.memref_squeeze %dma_start3A_110 : memref<1x128x128xf32, #tpu.memory_space<hbm>> -> memref<128x128xf32, #tpu.memory_space<hbm>>
    %dma_start3A_112 = arith.constant 0 : i32
    %dma_start3A_113 = tpu.memref_slice %arg4[%dma_start3A_108, %mul3A_2, %dma_start3A_112] : memref<50x4096x128xf32, #tpu.memory_space<hbm>> -> memref<1x128x128xf32, #tpu.memory_space<hbm>>
    %dma_start3A_114 = tpu.memref_squeeze %dma_start3A_113 : memref<1x128x128xf32, #tpu.memory_space<hbm>> -> memref<128x128xf32, #tpu.memory_space<hbm>>
    tpu.enqueue_dma source(%arg9 : memref<128x128xf32, #tpu.memory_space<vmem>>) target(%dma_start3A_114 : memref<128x128xf32, #tpu.memory_space<hbm>>) target_semaphore(%arg19 : memref<!tpu.dma_semaphore, #tpu.memory_space<semaphore_mem>>)
    %dma_wait3A_115 = arith.constant 0 : i32
    %dma_wait3A_116 = arith.constant 0 : i32
    %dma_wait3A_117 = arith.constant 0 : i32
    %dma_wait3A_118 = tpu.memref_slice %arg4[%dma_wait3A_115, %dma_wait3A_116, %dma_wait3A_117] : memref<50x4096x128xf32, #tpu.memory_space<hbm>> -> memref<1x128x128xf32, #tpu.memory_space<hbm>>
    %dma_wait3A_119 = tpu.memref_squeeze %dma_wait3A_118 : memref<1x128x128xf32, #tpu.memory_space<hbm>> -> memref<128x128xf32, #tpu.memory_space<hbm>>
    %dma_wait3A_120 = arith.constant 0 : i32
    %dma_wait3A_121 = arith.constant 0 : i32
    %dma_wait3A_122 = tpu.memref_slice %arg4[%dma_wait3A_115, %dma_wait3A_120, %dma_wait3A_121] : memref<50x4096x128xf32, #tpu.memory_space<hbm>> -> memref<1x128x128xf32, #tpu.memory_space<hbm>>
    %dma_wait3A_123 = tpu.memref_squeeze %dma_wait3A_122 : memref<1x128x128xf32, #tpu.memory_space<hbm>> -> memref<128x128xf32, #tpu.memory_space<hbm>>
    tpu.wait_dma2 semaphore(%arg18 : memref<!tpu.dma_semaphore, #tpu.memory_space<semaphore_mem>>) src(%arg8 : memref<128x128xf32, #tpu.memory_space<vmem>>) dst(%dma_wait3A_123 : memref<128x128xf32, #tpu.memory_space<hbm>>)
    %dma_wait3A_124 = arith.constant 0 : i32
    %dma_wait3A_125 = arith.constant 0 : i32
    %dma_wait3A_126 = tpu.memref_slice %arg5[%dma_wait3A_124, %dma_wait3A_125] : memref<50x128xi32, #tpu.memory_space<vmem>> -> memref<1x128xi32, #tpu.memory_space<vmem>>
    %dma_wait3A_127 = tpu.memref_squeeze %dma_wait3A_126 : memref<1x128xi32, #tpu.memory_space<vmem>> -> memref<128xi32, #tpu.memory_space<vmem>>
    %dma_wait3A_128 = arith.constant 0 : i32
    %dma_wait3A_129 = arith.constant 0 : i32
    %dma_wait3A_130 = tpu.memref_slice %arg3[%dma_wait3A_128, %dma_wait3A_129] : memref<1000000x128xf32, #tpu.memory_space<hbm>> -> memref<1000000x128xf32, #tpu.memory_space<hbm>>
    tpu.wait_indirect_dma semaphore(%arg15 : memref<!tpu.dma_semaphore, #tpu.memory_space<semaphore_mem>>) src(%dma_wait3A_130 : memref<1000000x128xf32, #tpu.memory_space<hbm>>) dst(%arg10 : memref<128x128xf32, #tpu.memory_space<vmem>>)
    %dma_start3A_131 = arith.constant 49 : i32
    %dma_start3A_132 = arith.constant 0 : i32
    %dma_start3A_133 = tpu.memref_slice %arg4[%dma_start3A_131, %mul3A_2, %dma_start3A_132] : memref<50x4096x128xf32, #tpu.memory_space<hbm>> -> memref<1x128x128xf32, #tpu.memory_space<hbm>>
    %dma_start3A_134 = tpu.memref_squeeze %dma_start3A_133 : memref<1x128x128xf32, #tpu.memory_space<hbm>> -> memref<128x128xf32, #tpu.memory_space<hbm>>
    %dma_start3A_135 = arith.constant 0 : i32
    %dma_start3A_136 = tpu.memref_slice %arg4[%dma_start3A_131, %mul3A_2, %dma_start3A_135] : memref<50x4096x128xf32, #tpu.memory_space<hbm>> -> memref<1x128x128xf32, #tpu.memory_space<hbm>>
    %dma_start3A_137 = tpu.memref_squeeze %dma_start3A_136 : memref<1x128x128xf32, #tpu.memory_space<hbm>> -> memref<128x128xf32, #tpu.memory_space<hbm>>
    tpu.enqueue_dma source(%arg10 : memref<128x128xf32, #tpu.memory_space<vmem>>) target(%dma_start3A_137 : memref<128x128xf32, #tpu.memory_space<hbm>>) target_semaphore(%arg20 : memref<!tpu.dma_semaphore, #tpu.memory_space<semaphore_mem>>)
    %dma_wait3A_138 = arith.constant 0 : i32
    %dma_wait3A_139 = arith.constant 0 : i32
    %dma_wait3A_140 = arith.constant 0 : i32
    %dma_wait3A_141 = tpu.memref_slice %arg4[%dma_wait3A_138, %dma_wait3A_139, %dma_wait3A_140] : memref<50x4096x128xf32, #tpu.memory_space<hbm>> -> memref<1x128x128xf32, #tpu.memory_space<hbm>>
    %dma_wait3A_142 = tpu.memref_squeeze %dma_wait3A_141 : memref<1x128x128xf32, #tpu.memory_space<hbm>> -> memref<128x128xf32, #tpu.memory_space<hbm>>
    %dma_wait3A_143 = arith.constant 0 : i32
    %dma_wait3A_144 = arith.constant 0 : i32
    %dma_wait3A_145 = tpu.memref_slice %arg4[%dma_wait3A_138, %dma_wait3A_143, %dma_wait3A_144] : memref<50x4096x128xf32, #tpu.memory_space<hbm>> -> memref<1x128x128xf32, #tpu.memory_space<hbm>>
    %dma_wait3A_146 = tpu.memref_squeeze %dma_wait3A_145 : memref<1x128x128xf32, #tpu.memory_space<hbm>> -> memref<128x128xf32, #tpu.memory_space<hbm>>
    tpu.wait_dma2 semaphore(%arg19 : memref<!tpu.dma_semaphore, #tpu.memory_space<semaphore_mem>>) src(%arg9 : memref<128x128xf32, #tpu.memory_space<vmem>>) dst(%dma_wait3A_146 : memref<128x128xf32, #tpu.memory_space<hbm>>)
    %dma_wait3A_147 = arith.constant 0 : i32
    %dma_wait3A_148 = arith.constant 0 : i32
    %dma_wait3A_149 = arith.constant 0 : i32
    %dma_wait3A_150 = tpu.memref_slice %arg4[%dma_wait3A_147, %dma_wait3A_148, %dma_wait3A_149] : memref<50x4096x128xf32, #tpu.memory_space<hbm>> -> memref<1x128x128xf32, #tpu.memory_space<hbm>>
    %dma_wait3A_151 = tpu.memref_squeeze %dma_wait3A_150 : memref<1x128x128xf32, #tpu.memory_space<hbm>> -> memref<128x128xf32, #tpu.memory_space<hbm>>
    %dma_wait3A_152 = arith.constant 0 : i32
    %dma_wait3A_153 = arith.constant 0 : i32
    %dma_wait3A_154 = tpu.memref_slice %arg4[%dma_wait3A_147, %dma_wait3A_152, %dma_wait3A_153] : memref<50x4096x128xf32, #tpu.memory_space<hbm>> -> memref<1x128x128xf32, #tpu.memory_space<hbm>>
    %dma_wait3A_155 = tpu.memref_squeeze %dma_wait3A_154 : memref<1x128x128xf32, #tpu.memory_space<hbm>> -> memref<128x128xf32, #tpu.memory_space<hbm>>
    tpu.wait_dma2 semaphore(%arg20 : memref<!tpu.dma_semaphore, #tpu.memory_space<semaphore_mem>>) src(%arg10 : memref<128x128xf32, #tpu.memory_space<vmem>>) dst(%dma_wait3A_155 : memref<128x128xf32, #tpu.memory_space<hbm>>)
    return
  }
}

</mosaic_0001>

<sc_bundles>
// kernel: _gather.3.cloned.1.call-start
scs
__scs_entry_jumppad:
0x0: {  	(pc) =	sbr.rel $0x88, $3  }
0x1: {  	(tag) =	ssettag $0x0;
	lr =	simm.s32 $0x1  }
0x2: {  	[smem:$0x3F9F] =	sst lr;
	_ =	strace $0xD0000000  }
0x3: {  	_ = 	snop  }
0x4: {  	_ = 	snop  }
0x5: {  	_ = 	snop  }
0x6: {  	_ = 	snop  }
0x7: {  	_ = 	snop  }
__scs_overlays_trampoline_lowered:
0x8: {  	[smem:$0x3FAE] =	sst s0  }
0x9: {  	[smem:$0x3FAF] =	sst s1  }
0xa: {  	[smem:$0x3FB0] =	sst s2  }
0xb: {  	[smem:$0x3FB1] =	sst s3  }
0xc: {  	[smem:$0x3FB2] =	sst s4  }
0xd: {  	[smem:$0x3FB3] =	sst s5  }
0xe: {  	[smem:$0x3FB4] =	sst s6  }
0xf: {  	[smem:$0x3FB5] =	sst s7  }
0x10: {  	[smem:$0x3FB6] =	sst s8  }
0x11: {  	[smem:$0x3FB7] =	sst s9;
	s0 =	simm.s32 @!p0 $0x0  }
0x12: {  	s1 =	sld [smem:$0x3F9D];
	s0 =	simm.s32 @p0 $0x1  }
0x13: {  	[smem:$0x3FB8] =	sst s0;
	s0 =	simm.s32 @!p1 $0x0  }
0x14: {  	s2 =	sld [smem:$0x3F9C];
	s0 =	simm.s32 @p1 $0x1  }
0x15: {  	[smem:$0x3FB9] =	sst s0;
	s0 =	simm.s32 @!p2 $0x0  }
0x16: {  	s3 =	sld [smem:$0x3FDB];
	s0 =	simm.s32 @p2 $0x1  }
0x17: {  	s4 =	simm.s32 $0x1BF5;
	[smem:$0x3FBB] =	sst s0  }
0x18: {  	s0 =	sld [smem:$0x3F9E];
	_ =	swait.ge [sflag:s4], $0x0  }
0x19: {  	s7 =	sld [smem:$0x3F9F]  }
0x1a: {  	s8 =	sadd.s32 $0xFFFFE003, lr  }
0x1b: {  	s9 =	sadd.s32 $0xFFFFFEF7, lr;
	s5 =	simm.s32 $0xFFFFFFFF;
	p2 =	slt.u32 s8, $0xFFFFF086  }
0x1c: {  	p1 =	slt.u32 s9, $0xF7A;
	s5 =	simm.s32 @!p2 $0x0  }
0x1d: {  	s5 =	simm.s32 @p1 $0x1;
	p0 =	seq.s32 s7, s2  }
0x1e: {  	s7 =	smul.u32 @!p0 $0xF7A, s2;
	p2 =	seq.s32 @!p0 s5, $0x0  }
0x1f: {  	s9 =	smul.u32 $0xF7A, s1;
	s8 =	simm.s32 @!p0 $0x1BF5;
	p2 =	por !p2, p0  }
0x20: {  	[sflag:s8] =	ssyncset.s32 @!p0 $0xFFFFF086;
	s6 =	sadd.s32 @!p0 s3, s7;
	s7 =	simm.s32 @!p0 $0x108  }
0x21: {  	s3 =	sadd.s32 s3, s9;
	s6 =	sadd.s32 @!p0 $0x88, s6;
	s7 =	simm.s32 @p2 $0x1082  }
0x22: {  	[simem:s7], [sflag:s8] =	dma.local @!p0 [hbm:s6], $0xF7A  }
0x23: {  	s9 =	sor.u32 $0xD0000000, s2;
	s6 =	simm.s32 $0x108;
	_ =	swait.ge @!p0 [sflag:s8], $0x0  }
0x24: {  	s3 =	sadd.s32 $0x88, s3;
	s6 =	simm.s32 @!p1 $0x1082;
	[sflag:s4] =	ssyncset.s32 $0xFFFFF086  }
0x25: {  	[simem:s6], [sflag:s4] =	dma.local [hbm:s3], $0xF7A  }
0x26: {  	[smem:$0x3F9F] =	sst s1;
	(tag) =	ssettag s2;
	_ =	strace s9  }
0x27: {  	s1 =	sld [smem:$0x3FAF]  }
0x28: {  	s2 =	sld [smem:$0x3FB0]  }
0x29: {  	s4 =	sld [smem:$0x3FB2]  }
0x2a: {  	p0 =	seq.s32 s5, $0x0;
	s5 =	sld [smem:$0x3FB3]  }
0x2b: {  	s6 =	sld [smem:$0x3FB4]  }
0x2c: {  	s7 =	sld [smem:$0x3FB5]  }
0x2d: {  	s3 =	simm.s32 $0x108;
	s8 =	sld [smem:$0x3FB6]  }
0x2e: {  	s3 =	simm.s32 @!p0 $0x1082;
	s9 =	sld [smem:$0x3FB7]  }
0x2f: {  	lr =	sadd.s32 s0, s3;
	s0 =	sld [smem:$0x3FAE]  }
0x30: {  	s3 =	sld [smem:$0x3FB1]  }
0x31: {  	[smem:$0x3FBA] =	sst s10  }
0x32: {  	s10 =	sld [smem:$0x3FB8];
	_ =	sdelay $0x3  }
0x33: {  	p0 =	seq.s32 s10, $0x1;
	s10 =	sld [smem:$0x3FBA];
	_ =	sdelay $0x3  }
0x34: {  	[smem:$0x3FBA] =	sst s10  }
0x35: {  	s10 =	sld [smem:$0x3FB9];
	_ =	sdelay $0x3  }
0x36: {  	p1 =	seq.s32 s10, $0x1;
	s10 =	sld [smem:$0x3FBA];
	_ =	sdelay $0x3  }
0x37: {  	[smem:$0x3FBA] =	sst s10  }
0x38: {  	s10 =	sld [smem:$0x3FBB]  }
0x39: {  	_ = 	snop;
	(pc) =	sbr.ind lr, $3  }
0x3a: {  	_ = 	snop  }
0x3b: {  	_ = 	snop  }
0x3c: {  	p2 =	seq.s32 s10, $0x1;
	s10 =	sld [smem:$0x3FBA]  }
0x3d: {  	_ =	shalt  }
0x3e: {  	_ =	shalt  }
0x3f: {  	_ =	shalt  }
0x40: {  	_ =	shalt  }
0x41: {  	_ =	shalt  }
0x42: {  	_ =	shalt  }
0x43: {  	_ =	shalt  }
0x44: {  	_ =	shalt  }
0x45: {  	_ =	shalt  }
0x46: {  	_ =	shalt  }
0x47: {  	_ =	shalt  }
0x48: {  	_ =	shalt  }
0x49: {  	_ =	shalt  }
0x4a: {  	_ =	shalt  }
0x4b: {  	_ =	shalt  }
0x4c: {  	_ =	shalt  }
0x4d: {  	_ =	shalt  }
0x4e: {  	_ =	shalt  }
0x4f: {  	_ =	shalt  }
0x50: {  	_ =	shalt  }
0x51: {  	_ =	shalt  }
0x52: {  	_ =	shalt  }
0x53: {  	_ =	shalt  }
0x54: {  	_ =	shalt  }
0x55: {  	_ =	shalt  }
0x56: {  	_ =	shalt  }
0x57: {  	_ =	shalt  }
0x58: {  	_ =	shalt  }
0x59: {  	_ =	shalt  }
0x5a: {  	_ =	shalt  }
0x5b: {  	_ =	shalt  }
0x5c: {  	_ =	shalt  }
0x5d: {  	_ =	shalt  }
0x5e: {  	_ =	shalt  }
0x5f: {  	_ =	shalt  }
0x60: {  	_ =	shalt  }
0x61: {  	_ =	shalt  }
0x62: {  	_ =	shalt  }
0x63: {  	_ =	shalt  }
0x64: {  	_ =	shalt  }
0x65: {  	_ =	shalt  }
0x66: {  	_ =	shalt  }
0x67: {  	_ =	shalt  }
0x68: {  	_ =	shalt  }
0x69: {  	_ =	shalt  }
0x6a: {  	_ =	shalt  }
0x6b: {  	_ =	shalt  }
0x6c: {  	_ =	shalt  }
0x6d: {  	_ =	shalt  }
0x6e: {  	_ =	shalt  }
0x6f: {  	_ =	shalt  }
0x70: {  	_ =	shalt  }
0x71: {  	_ =	shalt  }
0x72: {  	_ =	shalt  }
0x73: {  	_ =	shalt  }
0x74: {  	_ =	shalt  }
0x75: {  	_ =	shalt  }
0x76: {  	_ =	shalt  }
0x77: {  	_ =	shalt  }
0x78: {  	_ =	shalt  }
0x79: {  	_ =	shalt  }
0x7a: {  	_ =	shalt  }
0x7b: {  	_ =	shalt  }
0x7c: {  	_ =	shalt  }
0x7d: {  	_ =	shalt  }
0x7e: {  	_ =	shalt  }
0x7f: {  	_ =	shalt  }
0x80: {  	_ =	shalt  }
0x81: {  	_ =	shalt  }
0x82: {  	_ =	shalt  }
0x83: {  	_ =	shalt  }
0x84: {  	_ =	shalt  }
0x85: {  	_ =	shalt  }
0x86: {  	_ =	shalt  }
0x87: {  	_ =	shalt  }
.Lfunc_end0:
.L_simem_size_0:
called_computation_lowered:
.L_overlay_start_0:
0x88: {  	s2 =	sld [smem:$0x3FD9]  }
0x89: {  	s3 =	sld [smem:$0x3FFE];
	_ =	sdelay $0x1  }
0x8a: {  	s1 =	srdreg.scid  }
0x8b: {  	s0 =	sand.u32 $0x1, s1  }
0x8c: {  	s18 =	sshll.u32 s0, $0xA;
	s2 =	sadd.s32 s3, s2  }
0x8d: {  	s2 =	sadd.s32 s2, s18  }
0x8e: {  	[smem:$0x3FC6] =	sst s2  }
0x8f: {  	_ = 	snop  }
0x90: {  	s2 =	sld [smem:$0x3FC9]  }
0x91: {  	s19 =	sld [smem:$0x3FC8]  }
0x92: {  	s4 =	sld [smem:$0x3FD0];
	(tm) =	ssettm $0x1  }
0x93: {  	s5 =	sld [smem:$0x3FFB];
	_ =	sdelay $0x3  }
0x94: {  	_ =	strace s5  }
0x95: {  	s5 =	sld [smem:$0x3FFC];
	_ =	sdelay $0x3  }
0x96: {  	_ =	strace s5  }
0x97: {  	s5 =	sld [smem:$0x3FFD];
	_ =	sdelay $0x3  }
0x98: {  	_ =	strace s5  }
0x99: {  	_ =	strace $0x8FFFFFFF  }
0x9a: {  	s20 =	sld [smem:$0x3FDB];
	_ =	sdelay $0x1  }
0x9b: {  	s6 =	simm.s32 $_scs_section_size  }
0x9c: {  	s7 =	simm.s32 $_size__tile_overlayer_lowered;
	s8 =	simm.s32 $_tile_overlayer_lowered  }
0x9d: {  	s23 =	simm.s32 $0x1BFF;
	s22 =	sshll.u32 s8, $0x1;
	s5 =	sadd.s32 s6, s20  }
0x9e: {  	s9 =	simm.s32 $0x0;
	s21 =	sshll.u32 s7, $0x1;
	s7 =	sadd.s32 s22, s5  }
0x9f: {  	[timem:s9], [sflag:s23] =	dma.local [hbm:s7], s21  }
0xa0: {  	_ =	swait.ge [sflag:s23], s21  }
0xa1: {  	s6 =	ssub.s32 $0x0, s21;
	[sflag:s23] =	ssyncset.done $0x0  }
0xa2: {  	[sflag:s23] =	ssyncadd.s32 s6;
	_ =	sdelay $0x1  }
0xa3: {  	s24 =	simm.s32 $0x1B8B  }
0xa4: {  	_ =	swait.ge [sflag:s24], $0x1  }
0xa5: {  	[sflag:s24] =	ssyncset.done $0x0  }
0xa6: {  	s25 =	simm.s32 $0x1B8E;
	[sflag:s24] =	ssyncadd.s32 $0xFFFFFFFF  }
0xa7: {  	s26 =	simm.s32 $execute0_lowered;
	[smem:$0x3FD2] =	sst s25  }
0xa8: {  	s6 =	sshll.u32 s26, $0x1;
	_ =	strace $0x80000046;
	[dreg:$0x1] =	wrdreg $0xFFFFFFFF  }
0xa9: {  	s28 =	simm.s32 $_size_execute0_lowered;
	s5 =	sadd.s32 s5, s6;
	[dreg:$0x0] =	wrdreg $0x0  }
0xaa: {  	s6 =	sshll.u32 s28, $0x1;
	[dreg:$0x2] =	wrdreg s5  }
0xab: {  	[dreg:$0x3] =	wrdreg s6  }
0xac: {  	[dreg:$0x4] =	wrdreg $0xC0  }
0xad: {  	_ =	task [dreg:s9], $0x5FFFF  }
0xae: {  	[dreg:$0x1] =	wrdreg $0xFFFFFFFF  }
0xaf: {  	[dreg:$0x0] =	wrdreg $0x60  }
0xb0: {  	[dreg:$0x2] =	wrdreg s2  }
0xb1: {  	[dreg:$0x3] =	wrdreg s19  }
0xb2: {  	[dreg:$0x4] =	wrdreg s4  }
0xb3: {  	[dreg:$0x5] =	wrdreg $0x9  }
0xb4: {  	_ =	task.clear_ibuf [dreg:s9], $0x6FFFF;
	_ =	strace $0x90000046  }
0xb5: {  	s29 =	simm.s32 $0x9;
	_ =	strace $0x80000048  }
0xb6: {  	_ =	swait.ge [sflag:s29], $0x1  }
0xb7: {  	[sflag:s29] =	ssyncadd.s32 $0xFFFFFFFF  }
0xb8: {  	_ =	strace $0x90000048  }
0xb9: {  	_ =	sfence  }
0xba: {  	s30 =	sld [smem:$0x0];
	_ =	sdelay $0x2  }
0xbb: {  	s31 =	sshll.u32 s1, $0xD;
	s1 =	sshrl.u32 s1, $0x2  }
0xbc: {  	s3 =	sand.u32 $0x4000, s31;
	s1 =	sadd.s32 s1, s30  }
0xbd: {  	s0 =	sor.u32 s3, s0;
	s1 =	sshll.u32 s1, $0x11  }
0xbe: {  	s0 =	sor.u32 s1, s0  }
0xbf: {  	s0 =	sadd.s32 $0x8F2B, s0  }
0xc0: {  	[sflag:s0] =	ssyncadd.remote.s32 $0x1  }
0xc1: {  	_ =	sfence.sel $0xFFFF  }
0xc2: {  	[dreg:$0x0] =	wrdreg $0xFFFFFFFF;
	(pc) =	sbr.abs _section_cstart, $3  }
0xc3: {  	[dreg:$0x1] =	wrdreg $0xFFFFFFFF  }
0xc4: {  	_ =	task.clear_ibuf [dreg:s9], $0x2FFFF;
	_ =	strace $0x9FFFFFFF  }
0xc5: {  	(tm) =	ssettm $0x7FFFFFFF  }
tec
execute0_lowered:
.L_overlay_start_1:
0x0: {  	(tag) =	ssettag $0x1  }
0x1: {  	s0 =	rddreg [dreg:$0x0]  }
0x2: {  	s1 =	rddreg [dreg:$0x1]  }
0x3: {  	s3 =	rddreg [dreg:$0x2];
	s2 =	srdreg.scid  }
0x4: {  	s4 =	simm.s32 $0x0;
	s9 =	stileid.u32;
	s29 =	simm.s32 $0xDC00  }
0x5: {  	s30 =	simm.s32 $0x1;
	s28 =	simm.s32 $0x8;
	s31 =	simm.s32 $0x5  }
0x6: {  	s2 =	sand.u32 $0x1, s2;
	s6 =	sshll.u32 s9, $0x8;
	[smem:$0x7FF] =	sst s4  }
0x7: {  	s12 =	sshll.u32 s9, $0xF;
	s9 =	simm.s32 $0x0;
	s5 =	ssub.s32 $0x2, s2  }
0x8: {  	s7 =	sshll.u32 s2, $0x7;
	_ =	strace $0x80000047;
	s2 =	sshll.u32 s2, $0xE  }
0x9: {  	s8 =	sshrl.u32 s5, $0x1;
	s6 =	sor.u32 s7, s6;
	s14 =	sor.u32 s2, s12  }
0xa: {  	s5 =	ssub.s32 s5, s8;
	s7 =	sadd.s32 s0, s6;
	s11 =	sshll.u32 s6, $0x4  }
0xb: {  	s19 =	sor.u32 $0x200000, s14;
	s22 =	sor.u32 $0x180000, s14;
	s23 =	sor.u32 $0x100000, s14  }
0xc: {  	s24 =	sor.u32 $0x80000, s14;
	s0 =	simm.s32 $0x11C00;
	s6 =	simm.s32 $0x9  }
0xd: {  	s8 =	simm.s32 $0xA;
	[dreg:$0x4] =	wrdreg s7;
	s7 =	sadd.s32 $0x6000, s7  }
0xe: {  	s13 =	sadd.s32 s3, s11;
	s2 =	sshrl.u32 s19, $0x3;
	s5 =	smax.u32 s5, $0x1  }
0xf: {  	s25 =	sshrl.u32 s23, $0x3;
	s26 =	sshrl.u32 s24, $0x3;
	[dreg:$0x5] =	wrdreg s7  }
0x10: {  	s23 =	simm.s32 $0x1C00;
	s24 =	simm.s32 $0x5C00;
	[dreg:$0x6] =	wrdreg s13  }
0x11: {  	s19 =	simm.s32 $0x3;
	s17 =	sadd.s32 $0x2E0000, s13;
	[dreg:$0xb] =	wrdreg s5  }
0x12: {  	s18 =	sadd.s32 $0x2F0000, s13;
	s20 =	sadd.s32 $0x300000, s13;
	[dreg:$0x7] =	wrdreg s17  }
0x13: {  	s21 =	sadd.s32 $0x310000, s13;
	s2 =	sadd.s32 s2, s3;
	[dreg:$0x8] =	wrdreg s18  }
0x14: {  	s15 =	sadd.s32 s25, s3;
	s16 =	sadd.s32 s26, s3;
	[dreg:$0x9] =	wrdreg s20  }
0x15: {  	s26 =	simm.s32 $0x9C00;
	s25 =	simm.s32 $0x4;
	[dreg:$0xa] =	wrdreg s21  }
0x16: {  	[dreg:$0xc] =	wrdreg s2;
	s2 =	sshrl.u32 s22, $0x3;
	s17 =	sor.u32 $0x280000, s14  }
0x17: {  	s22 =	simm.s32 $0x80;
	s18 =	simm.s32 $0x6;
	s2 =	sadd.s32 s2, s3  }
0x18: {  	s20 =	simm.s32 $0x7;
	[dreg:$0xd] =	wrdreg s2;
	s2 =	simm.s32 $0x2  }
.LBB2_1:
0x19: {  	s5 =	rddreg [dreg:$0x4];
	s7 =	simm.s32 $0x400;
	s10 =	simm.s32 $0x8000  }
0x1a: {  	[tilespmem:s4], [sflag:$0xB] =	stream.strided.gather [hbm4b:s5+s7], $0x1800, s10, s7, $0x38;
	[tilespmem:$0x15C00] =	vst v63  }
0x1b: {  	s11 =	simm.s32 $0xB;
	s7 =	rddreg [dreg:$0x5];
	s10 =	simm.s32 $0x1800  }
0x1c: {  	[tilespmem:s10], [sflag:$0xB] =	stream.linear.gather [hbm4b:s7+s4], $0x100, $0x38;
	[tilespmem:$0x15C00] =	vst v63  }
0x1d: {  	_ =	swait.ge [sflag:s11], $0x1900  }
0x1e: {  	[sflag:s11] =	ssyncset.done $0x0  }
0x1f: {  	[sflag:s11] =	ssyncadd.s32 $0xFFFFE700  }
0x20: {  	[tilespmem:s23], [sflag:$0x1] =	stream.indirect.gather [hbm4b:s1+s22], $0x80, s4, s22, $0xb8;
	[tilespmem:$0x15C00] =	vst v63  }
0x21: {  	_ = 	snop  }
0x22: {  	[tilespmem:s24], [sflag:$0x2] =	stream.indirect.gather [hbm4b:s1+s22], $0x80, s22, s22, $0xb8;
	[tilespmem:$0x15C00] =	vst v63  }
0x23: {  	s12 =	simm.s32 $0x100  }
0x24: {  	[tilespmem:s26], [sflag:$0x3] =	stream.indirect.gather [hbm4b:s1+s22], $0x80, s12, s22, $0xb8;
	[tilespmem:$0x15C00] =	vst v63  }
0x25: {  	s13 =	simm.s32 $0x180  }
0x26: {  	[tilespmem:s29], [sflag:$0x4] =	stream.indirect.gather [hbm4b:s1+s22], $0x80, s13, s22, $0xb8;
	[tilespmem:$0x15C00] =	vst v63  }
0x27: {  	_ =	swait.ge [sflag:s30], $0x4000  }
0x28: {  	[sflag:s30] =	ssyncset.done $0x0  }
0x29: {  	s14 =	rddreg [dreg:$0x6];
	[sflag:s30] =	ssyncadd.s32 $0xFFFFC000  }
0x2a: {  	[hbm4b:s14+s4] =	stream.linear.scatter [tilespmem:s23], [sflag:$0x6], $0x4000, $0x38;
	[tilespmem:$0x15C00] =	vst v63  }
0x2b: {  	s21 =	simm.s32 $0x200  }
0x2c: {  	[tilespmem:s0], [sflag:$0x5] =	stream.indirect.gather [hbm4b:s1+s22], $0x80, s21, s22, $0xb8;
	[tilespmem:$0x15C00] =	vst v63  }
0x2d: {  	_ =	swait.ge [sflag:s2], $0x4000  }
0x2e: {  	[sflag:s2] =	ssyncset.done $0x0  }
0x2f: {  	[sflag:s2] =	ssyncadd.s32 $0xFFFFC000  }
0x30: {  	[hbm4b:s16+s4] =	stream.linear.scatter [tilespmem:s24], [sflag:$0x7], $0x4000, $0x38;
	[tilespmem:$0x15C00] =	vst v63  }
0x31: {  	_ =	swait.ge [sflag:s18], $0x4000  }
0x32: {  	[sflag:s18] =	ssyncset.done $0x0  }
0x33: {  	s7 =	simm.s32 $0x280;
	[sflag:s18] =	ssyncadd.s32 $0xFFFFC000  }
0x34: {  	[tilespmem:s23], [sflag:$0x1] =	stream.indirect.gather [hbm4b:s1+s22], $0x80, s7, s22, $0xb8;
	[tilespmem:$0x15C00] =	vst v63  }
0x35: {  	_ =	swait.ge [sflag:s19], $0x4000  }
0x36: {  	[sflag:s19] =	ssyncset.done $0x0  }
0x37: {  	[sflag:s19] =	ssyncadd.s32 $0xFFFFC000  }
0x38: {  	[hbm4b:s15+s4] =	stream.linear.scatter [tilespmem:s26], [sflag:$0x8], $0x4000, $0x38;
	[tilespmem:$0x15C00] =	vst v63  }
0x39: {  	_ =	swait.ge [sflag:s20], $0x4000  }
0x3a: {  	[sflag:s20] =	ssyncset.done $0x0  }
0x3b: {  	s10 =	simm.s32 $0x300;
	[sflag:s20] =	ssyncadd.s32 $0xFFFFC000  }
0x3c: {  	[tilespmem:s24], [sflag:$0x2] =	stream.indirect.gather [hbm4b:s1+s22], $0x80, s10, s22, $0xb8;
	[tilespmem:$0x15C00] =	vst v63  }
0x3d: {  	_ =	swait.ge [sflag:s25], $0x4000  }
0x3e: {  	[sflag:s25] =	ssyncset.done $0x0  }
0x3f: {  	s12 =	rddreg [dreg:$0xd];
	[sflag:s25] =	ssyncadd.s32 $0xFFFFC000  }
0x40: {  	[hbm4b:s12+s4] =	stream.linear.scatter [tilespmem:s29], [sflag:$0x9], $0x4000, $0x38;
	[tilespmem:$0x15C00] =	vst v63  }
0x41: {  	_ =	swait.ge [sflag:s28], $0x4000  }
0x42: {  	[sflag:s28] =	ssyncset.done $0x0  }
0x43: {  	s11 =	simm.s32 $0x380;
	[sflag:s28] =	ssyncadd.s32 $0xFFFFC000  }
0x44: {  	[tilespmem:s26], [sflag:$0x3] =	stream.indirect.gather [hbm4b:s1+s22], $0x80, s11, s22, $0xb8;
	[tilespmem:$0x15C00] =	vst v63  }
0x45: {  	_ =	swait.ge [sflag:s31], $0x4000  }
0x46: {  	[sflag:s31] =	ssyncset.done $0x0  }
0x47: {  	s14 =	rddreg [dreg:$0xc];
	[sflag:s31] =	ssyncadd.s32 $0xFFFFC000  }
0x48: {  	[hbm4b:s14+s4] =	stream.linear.scatter [tilespmem:s0], [sflag:$0xA], $0x4000, $0x38;
	[tilespmem:$0x15C00] =	vst v63  }
0x49: {  	_ =	swait.ge [sflag:s6], $0x4000  }
0x4a: {  	[sflag:s6] =	ssyncset.done $0x0  }
0x4b: {  	s13 =	simm.s32 $0x400;
	[sflag:s6] =	ssyncadd.s32 $0xFFFFC000  }
0x4c: {  	[tilespmem:s29], [sflag:$0x4] =	stream.indirect.gather [hbm4b:s1+s22], $0x80, s13, s22, $0xb8;
	[tilespmem:$0x15C00] =	vst v63  }
0x4d: {  	_ =	swait.ge [sflag:s30], $0x4000  }
0x4e: {  	s21 =	sshrl.u32 s17, $0x3;
	[sflag:s30] =	ssyncset.done $0x0  }
0x4f: {  	s5 =	simm.s32 $0xA00;
	s7 =	sadd.s32 s3, s21;
	[sflag:s30] =	ssyncadd.s32 $0xFFFFC000  }
0x50: {  	[hbm4b:s7+s4] =	stream.linear.scatter [tilespmem:s23], [sflag:$0x6], $0x4000, $0x38;
	[tilespmem:$0x15C00] =	vst v63  }
0x51: {  	s10 =	sadd.s32 $0x50000, s16;
	s12 =	sadd.s32 $0x50000, s12;
	_ =	swait.ge [sflag:s8], $0x4000  }
0x52: {  	s11 =	sadd.s32 $0x280000, s17;
	s21 =	sadd.s32 $0x50000, s14;
	[sflag:s8] =	ssyncset.done $0x0  }
0x53: {  	s13 =	simm.s32 $0x480;
	s7 =	sadd.s32 $0x50000, s15;
	[sflag:s8] =	ssyncadd.s32 $0xFFFFC000  }
.LBB2_2:
0x54: {  	[tilespmem:s0], [sflag:$0x5] =	stream.indirect.gather [hbm4b:s1+s22], $0x80, s13, s22, $0xb8;
	[tilespmem:$0x15C00] =	vst v63  }
0x55: {  	s13 =	smov.u32 s5  }
0x56: {  	p0 =	sne.s32 s5, $0x5000;
	s5 =	sadd.s32 $0xA00, s5;
	_ =	swait.ge [sflag:s2], $0x4000  }
0x57: {  	[sflag:s2] =	ssyncset.done $0x0  }
0x58: {  	[sflag:s2] =	ssyncadd.s32 $0xFFFFC000  }
0x59: {  	[hbm4b:s10+s4] =	stream.linear.scatter [tilespmem:s24], [sflag:$0x7], $0x4000, $0x38;
	[tilespmem:$0x15C00] =	vst v63  }
0x5a: {  	_ =	swait.ge [sflag:s18], $0x4000  }
0x5b: {  	s13 =	sshra.s32 s13, $0x2;
	[sflag:s18] =	ssyncset.done $0x0  }
0x5c: {  	s14 =	sadd.s32 $0x280, s13;
	[sflag:s18] =	ssyncadd.s32 $0xFFFFC000  }
0x5d: {  	[tilespmem:s23], [sflag:$0x1] =	stream.indirect.gather [hbm4b:s1+s22], $0x80, s14, s22, $0xb8;
	[tilespmem:$0x15C00] =	vst v63  }
0x5e: {  	_ =	swait.ge [sflag:s19], $0x4000  }
0x5f: {  	[sflag:s19] =	ssyncset.done $0x0  }
0x60: {  	[sflag:s19] =	ssyncadd.s32 $0xFFFFC000  }
0x61: {  	[hbm4b:s7+s4] =	stream.linear.scatter [tilespmem:s26], [sflag:$0x8], $0x4000, $0x38;
	[tilespmem:$0x15C00] =	vst v63  }
0x62: {  	_ =	swait.ge [sflag:s20], $0x4000  }
0x63: {  	[sflag:s20] =	ssyncset.done $0x0  }
0x64: {  	s14 =	sadd.s32 $0x300, s13;
	[sflag:s20] =	ssyncadd.s32 $0xFFFFC000  }
0x65: {  	[tilespmem:s24], [sflag:$0x2] =	stream.indirect.gather [hbm4b:s1+s22], $0x80, s14, s22, $0xb8;
	[tilespmem:$0x15C00] =	vst v63  }
0x66: {  	_ =	swait.ge [sflag:s25], $0x4000  }
0x67: {  	[sflag:s25] =	ssyncset.done $0x0  }
0x68: {  	[sflag:s25] =	ssyncadd.s32 $0xFFFFC000  }
0x69: {  	[hbm4b:s12+s4] =	stream.linear.scatter [tilespmem:s29], [sflag:$0x9], $0x4000, $0x38;
	[tilespmem:$0x15C00] =	vst v63  }
0x6a: {  	_ =	swait.ge [sflag:s28], $0x4000  }
0x6b: {  	[sflag:s28] =	ssyncset.done $0x0  }
0x6c: {  	s14 =	sadd.s32 $0x380, s13;
	[sflag:s28] =	ssyncadd.s32 $0xFFFFC000  }
0x6d: {  	[tilespmem:s26], [sflag:$0x3] =	stream.indirect.gather [hbm4b:s1+s22], $0x80, s14, s22, $0xb8;
	[tilespmem:$0x15C00] =	vst v63  }
0x6e: {  	_ =	swait.ge [sflag:s31], $0x4000  }
0x6f: {  	[sflag:s31] =	ssyncset.done $0x0  }
0x70: {  	[sflag:s31] =	ssyncadd.s32 $0xFFFFC000  }
0x71: {  	[hbm4b:s21+s4] =	stream.linear.scatter [tilespmem:s0], [sflag:$0xA], $0x4000, $0x38;
	[tilespmem:$0x15C00] =	vst v63  }
0x72: {  	_ =	swait.ge [sflag:s6], $0x4000  }
0x73: {  	[sflag:s6] =	ssyncset.done $0x0  }
0x74: {  	s14 =	sadd.s32 $0x400, s13;
	[sflag:s6] =	ssyncadd.s32 $0xFFFFC000  }
0x75: {  	[tilespmem:s29], [sflag:$0x4] =	stream.indirect.gather [hbm4b:s1+s22], $0x80, s14, s22, $0xb8;
	[tilespmem:$0x15C00] =	vst v63  }
0x76: {  	_ =	swait.ge [sflag:s30], $0x4000  }
0x77: {  	s14 =	sshrl.u32 s11, $0x3;
	[sflag:s30] =	ssyncset.done $0x0  }
.Ltmp0:
0x78: {  	s14 =	sadd.s32 s3, s14;
	[sflag:s30] =	ssyncadd.s32 $0xFFFFC000;
	(pc) =	sbr.rel @p0 .LBB2_2-.Ltmp0, $4  }
0x79: {  	[hbm4b:s14+s4] =	stream.linear.scatter [tilespmem:s23], [sflag:$0x6], $0x4000, $0x38;
	[tilespmem:$0x15C00] =	vst v63  }
0x7a: {  	s10 =	sadd.s32 $0x50000, s10;
	s11 =	sadd.s32 $0x280000, s11;
	_ =	swait.ge [sflag:s8], $0x4000  }
0x7b: {  	s7 =	sadd.s32 $0x50000, s7;
	s12 =	sadd.s32 $0x50000, s12;
	[sflag:s8] =	ssyncset.done $0x0  }
0x7c: {  	s13 =	sadd.s32 $0x480, s13;
	s21 =	sadd.s32 $0x50000, s21;
	[sflag:s8] =	ssyncadd.s32 $0xFFFFC000  }
0x7d: {  	[tilespmem:s0], [sflag:$0x5] =	stream.indirect.gather [hbm4b:s1+s22], $0x80, s13, s22, $0xb8;
	[tilespmem:$0x15C00] =	vst v63  }
0x7e: {  	_ =	swait.ge [sflag:s2], $0x4000  }
0x7f: {  	[sflag:s2] =	ssyncset.done $0x0  }
0x80: {  	s5 =	rddreg [dreg:$0x7];
	[sflag:s2] =	ssyncadd.s32 $0xFFFFC000  }
0x81: {  	[hbm4b:s5+s4] =	stream.linear.scatter [tilespmem:s24], [sflag:$0x7], $0x4000, $0x38;
	[tilespmem:$0x15C00] =	vst v63  }
0x82: {  	_ =	swait.ge [sflag:s18], $0x4000  }
0x83: {  	[sflag:s18] =	ssyncset.done $0x0  }
0x84: {  	[sflag:s18] =	ssyncadd.s32 $0xFFFFC000  }
0x85: {  	_ =	swait.ge [sflag:s19], $0x4000  }
0x86: {  	[sflag:s19] =	ssyncset.done $0x0  }
0x87: {  	s12 =	rddreg [dreg:$0x8];
	[sflag:s19] =	ssyncadd.s32 $0xFFFFC000  }
0x88: {  	[hbm4b:s12+s4] =	stream.linear.scatter [tilespmem:s26], [sflag:$0x8], $0x4000, $0x38;
	[tilespmem:$0x15C00] =	vst v63  }
0x89: {  	_ =	swait.ge [sflag:s20], $0x4000  }
0x8a: {  	[sflag:s20] =	ssyncset.done $0x0  }
0x8b: {  	[sflag:s20] =	ssyncadd.s32 $0xFFFFC000  }
0x8c: {  	_ =	swait.ge [sflag:s25], $0x4000  }
0x8d: {  	[sflag:s25] =	ssyncset.done $0x0  }
0x8e: {  	s13 =	rddreg [dreg:$0x9];
	[sflag:s25] =	ssyncadd.s32 $0xFFFFC000  }
0x8f: {  	[hbm4b:s13+s4] =	stream.linear.scatter [tilespmem:s29], [sflag:$0x9], $0x4000, $0x38;
	[tilespmem:$0x15C00] =	vst v63  }
0x90: {  	_ =	swait.ge [sflag:s28], $0x4000  }
0x91: {  	[sflag:s28] =	ssyncset.done $0x0  }
0x92: {  	[sflag:s28] =	ssyncadd.s32 $0xFFFFC000  }
0x93: {  	_ =	swait.ge [sflag:s31], $0x4000  }
0x94: {  	[sflag:s31] =	ssyncset.done $0x0  }
0x95: {  	s14 =	rddreg [dreg:$0xa];
	[sflag:s31] =	ssyncadd.s32 $0xFFFFC000  }
0x96: {  	[hbm4b:s14+s4] =	stream.linear.scatter [tilespmem:s0], [sflag:$0xA], $0x4000, $0x38;
	[tilespmem:$0x15C00] =	vst v63  }
0x97: {  	_ =	swait.ge [sflag:s6], $0x4000  }
0x98: {  	[sflag:s6] =	ssyncset.done $0x0  }
0x99: {  	[sflag:s6] =	ssyncadd.s32 $0xFFFFC000  }
0x9a: {  	_ =	swait.ge [sflag:s8], $0x4000  }
0x9b: {  	s9 =	sadd.s32 $0x1, s9;
	s21 =	rddreg [dreg:$0xb]  }
0x9c: {  	p0 =	sne.s32 s9, s21  }
.Ltmp1:
0x9d: {  	_ = 	snop;
	(pc) =	sbr.rel @p0 .LBB2_1-.Ltmp1, $3  }
0x9e: {  	_ =	sdelay $0x1  }
0x9f: {  	[sflag:s8] =	ssyncset.done $0x0  }
0xa0: {  	[sflag:s8] =	ssyncadd.s32 $0xFFFFC000  }
0xa1: {  	_ =	sfence.sel $0x180000  }
0xa2: {  	[bflag:$0x0] =	sbarrier.arrive $0xFFFF  }
0xa3: {  	_ =	strace $0x90000047  }
0xa4: {  	s0 =	stileid.u32;
	[bflag:$0x2] =	sbarrier.arrive $0xFFFF  }
0xa5: {  	p0 =	sne.s32 s0, $0x0;
	s0 =	rddreg [dreg:$0x3]  }
0xa6: {  	s0 =	sadd.s32 @!p0 $0x100000, s0  }
0xa7: {  	[sflag:s0] =	ssyncadd.tile.s32 @!p0 $0x1;
	_ =	shalt  }
.Lfunc_end2:
_tile_overlayer_lowered:
.L_overlay_start_2:
0xa8: {  	(tag) =	ssettag $0x2  }
0xa9: {  	s0 =	rddreg [dreg:$0x0];
	s2 =	stileid.u32  }
0xaa: {  	s1 =	rddreg [dreg:$0x1];
	p0 =	sne.s32 s2, $0x0  }
0xab: {  	s3 =	rddreg [dreg:$0x2];
	[bflag:$0x3] =	sbarrier.arrive $0xFFFF;
	s2 =	simm.s32 @!p0 $0x1C0B  }
0xac: {  	[timem:s3], [sflag:s2] =	dma.local @!p0 [hbm:s0], s1  }
0xad: {  	s0 =	simm.s32 @!p0 $0xB  }
0xae: {  	_ =	swait.ge @!p0 [sflag:s0], s1  }
0xaf: {  	s1 =	ssub.s32 @!p0 $0x0, s1;
	[sflag:s0] =	ssyncset.done @!p0 $0x0  }
0xb0: {  	[sflag:s0] =	ssyncadd.s32 @!p0 s1  }
0xb1: {  	[bflag:$0x3] =	sbarrier.arrive $0xFFFF  }
0xb2: {  	_ =	shalt  }

</sc_bundles>
